<compile_context>
chip_gen: v7x
topology: tpu7x:2x2x1
jax: 0.10.2.dev20260603
libtpu: 0.0.44.dev20260713+nightly
codegen_flags: <defaults>
</compile_context>

<pallas_src>
import functools

import jax
import jax.numpy as jnp
from jax import lax
from jax.experimental import pallas as pl
from jax.experimental.pallas import tpu as pltpu
from jax.experimental.pallas import tpu_sc as plsc

V = 1000000
D = 64
L = 20
B = 16384

CBLK = 8192
NCOLB = (V + CBLK - 1) // CBLK
NROW = ((NCOLB + 7) // 8) * 8
VPAD = NROW * CBLK

_info = plsc.get_sparse_core_info()
NC, NS, LANES = _info.num_cores, _info.num_subcores, _info.num_lanes
NW = NC * NS
BPW = B // NW
GCHUNK = 128
NG = BPW // GCHUNK
NGRP = BPW // LANES



def _tc_body(tabT_ref, w1T_ref, out_ref):
    j = lax.rem(pl.program_id(0), 8)
    out_ref[pl.ds(j, 1), :] = jnp.dot(
        w1T_ref[...], tabT_ref[...], preferred_element_type=jnp.float32
    )


_tc_t1 = pl.pallas_call(
    _tc_body,
    grid=(NCOLB,),
    in_specs=[
        pl.BlockSpec((D, CBLK), lambda i: (0, i)),
        pl.BlockSpec((1, D), lambda i: (0, 0)),
    ],
    out_specs=pl.BlockSpec((8, CBLK), lambda i: (i // 8, 0)),
    out_shape=jax.ShapeDtypeStruct((NROW, CBLK), jnp.float32),
)



def _fire_gather(t1, idxw, l, buf, sem):
    for k in range(NG):
        pltpu.async_copy(
            t1.at[idxw.at[pl.ds(l * BPW + k * GCHUNK, GCHUNK)]],
            buf.at[pl.ds(k * GCHUNK, GCHUNK), :],
            sem,
        )


def _wait_gather(t1, idxw, buf, sem):
    pltpu.make_async_copy(t1.at[idxw.at[pl.ds(0, BPW)]], buf, sem).wait()


def _compute_step(l, buf, idxm, acc_v, w2_v, lane_iota):
    wl = w2_v[pl.ds(l, LANES)][0]

    def g_body(g, c):
        rb = g * LANES
        idxs = idxm[pl.ds(l * BPW + rb, LANES)]
        colv = idxs & (LANES - 1)
        vals = plsc.load_gather(buf, [rb + lane_iota, colv])
        contrib = jnp.where(idxs != 0, vals, 0.0) * wl
        acc_v[pl.ds(rb, LANES)] = acc_v[pl.ds(rb, LANES)] + contrib
        return c

    lax.fori_loop(0, NGRP, g_body, 0)


def _sc_body(idxf, t1, w2h, out, idx_loc, idxm, idxw, buf0, buf1, acc_v,
             w2_v, sem0, sem1):
    wid = lax.axis_index("s") * NC + lax.axis_index("c")
    base = wid * BPW

    pltpu.sync_copy(idxf.at[pl.ds(base * L, BPW * L)], idx_loc)
    pltpu.sync_copy(w2h, w2_v)

    lane_iota = lax.iota(jnp.int32, LANES)
    zeros = jnp.zeros((LANES,), jnp.float32)

    def tr_l(l, c):
        def tr_g(g, c2):
            flat = (g * LANES + lane_iota) * L + l
            v = plsc.load_gather(idx_loc, [flat])
            idxm[pl.ds(l * BPW + g * LANES, LANES)] = v
            idxw[pl.ds(l * BPW + g * LANES, LANES)] = lax.shift_right_logical(
                v, 4
            )
            return c2

        lax.fori_loop(0, NGRP, tr_g, 0)
        return c

    lax.fori_loop(0, L, tr_l, 0)

    def zero_body(g, c):
        acc_v[pl.ds(g * LANES, LANES)] = zeros
        return c

    lax.fori_loop(0, NGRP, zero_body, 0)

    _fire_gather(t1, idxw, 0, buf0, sem0)
    _fire_gather(t1, idxw, 1, buf1, sem1)

    def l_pair(i, c):
        l0 = 2 * i

        _wait_gather(t1, idxw, buf0, sem0)
        _compute_step(l0, buf0, idxm, acc_v, w2_v, lane_iota)

        @pl.when(i < (L // 2 - 1))
        def _():
            _fire_gather(t1, idxw, l0 + 2, buf0, sem0)

        _wait_gather(t1, idxw, buf1, sem1)
        _compute_step(l0 + 1, buf1, idxm, acc_v, w2_v, lane_iota)

        @pl.when(i < (L // 2 - 1))
        def _():
            _fire_gather(t1, idxw, l0 + 3, buf1, sem1)

        return c

    lax.fori_loop(0, L // 2, l_pair, 0)

    const = w2_v[pl.ds(L, LANES)][0]

    def sig_body(g, c):
        x = acc_v[pl.ds(g * LANES, LANES)] + const
        acc_v[pl.ds(g * LANES, LANES)] = 1.0 / (1.0 + jnp.exp(-x))
        return c

    lax.fori_loop(0, NGRP, sig_body, 0)

    pltpu.sync_copy(acc_v, out.at[pl.ds(base, BPW)])


@functools.partial(
    pl.kernel,
    mesh=plsc.VectorSubcoreMesh(core_axis_name="c", subcore_axis_name="s"),
    out_type=jax.ShapeDtypeStruct((B,), jnp.float32),
    compiler_params=pltpu.CompilerParams(
        needs_layout_passes=False, use_tc_tiling_on_sc=False
    ),
    scratch_types=[
        pltpu.VMEM((BPW * L,), jnp.int32),
        pltpu.VMEM((BPW * L,), jnp.int32),
        pltpu.VMEM((BPW * L,), jnp.int32),
        pltpu.VMEM((BPW, LANES), jnp.float32),
        pltpu.VMEM((BPW, LANES), jnp.float32),
        pltpu.VMEM((BPW,), jnp.float32),
        pltpu.VMEM((48,), jnp.float32),
        pltpu.SemaphoreType.DMA,
        pltpu.SemaphoreType.DMA,
    ],
)
def _sc_kernel(idxf, t1, w2h, out, idx_loc, idxm, idxw, buf0, buf1, acc_v,
               w2_v, sem0, sem1):
    _sc_body(idxf, t1, w2h, out, idx_loc, idxm, idxw, buf0, buf1, acc_v,
             w2_v, sem0, sem1)


def kernel(char_inputs, table, w1, b1, w2, b2):
    idxf = char_inputs.astype(jnp.int32).reshape(B * L)
    tabT = jnp.transpose(table)
    w1T = jnp.transpose(w1)
    t1 = _tc_t1(tabT, w1T).reshape(VPAD // LANES, LANES)
    const = b1[0] * jnp.sum(w2) + b2[0]
    w2p = jnp.zeros((48,), jnp.float32).at[:L].set(w2[:, 0]).at[L].set(const)
    out = _sc_kernel(idxf, t1, w2p)
    return out.reshape(B, 1)

# --- scband reference (transcript-rebuilt; emitter-appended) ---
"""Pipeline reference for scband-search-char-23957327577938 (READ-ONLY COPY).

The authoritative reference and input builder live on the scoring server;
editing this copy changes nothing except your own understanding.
"""

import jax, jax.numpy as jnp
import numpy as np

V = 1000000
D = 64
L = 20
B = 16384


def setup_inputs(seed: int = 0) -> dict:
    key = jax.random.key(seed)
    k_idx, k_tab, k_w1, k_b1, k_w2, k_b2 = jax.random.split(key, 6)
    char_inputs = jax.random.randint(k_idx, (B, L), 0, V, dtype=jnp.int64 if jax.config.jax_enable_x64 else jnp.int32)
    table = jax.random.normal(k_tab, (V, D), dtype=jnp.float32) * 0.02
    w1 = jax.random.normal(k_w1, (D, 1), dtype=jnp.float32) * (1.0 / np.sqrt(D))
    b1 = jax.random.normal(k_b1, (1,), dtype=jnp.float32) * 0.01
    w2 = jax.random.normal(k_w2, (L, 1), dtype=jnp.float32) * (1.0 / np.sqrt(L))
    b2 = jax.random.normal(k_b2, (1,), dtype=jnp.float32) * 0.01
    return {"char_inputs": char_inputs, "table": table, "w1": w1, "b1": b1, "w2": w2, "b2": b2}


def reference(char_inputs, table, w1, b1, w2, b2):
    # nn.Embedding with padding_idx=0: row 0 is zeros
    tab = table.at[0].set(0.0)
    emb = jnp.take(tab, char_inputs, axis=0)          # [B, L, D]
    h = jnp.einsum('bld,do->blo', emb, w1) + b1        # [B, L, 1]
    h = h[..., 0]                                      # [B, L]  (squeeze dim 2)
    out = h @ w2 + b2                                  # [B, 1]
    return jax.nn.sigmoid(out)

if __name__ == "__main__":
    import jax
    _d = setup_inputs()
    print(jax.jit(kernel)(*tuple(_d.values())))

</pallas_src>

<mosaic_0001>
#map = affine_map<(d0, d1) -> (0)>
#map1 = affine_map<(d0, d1) -> (0, 0)>
module attributes {stable_mosaic.version = 14 : i64} {
  func.func @_sc_kernel(%arg0: i32, %arg1: i32, %arg2: memref<327680xi32, #tpu.memory_space<hbm>>, %arg3: memref<65536x16xf32, #tpu.memory_space<hbm>>, %arg4: memref<48xf32, #tpu.memory_space<hbm>>, %arg5: memref<16384xf32, #tpu.memory_space<hbm>>, %arg6: memref<10240xi32, #tpu.memory_space<vmem>>, %arg7: memref<10240xi32, #tpu.memory_space<vmem>>, %arg8: memref<10240xi32, #tpu.memory_space<vmem>>, %arg9: memref<512x16xf32, #tpu.memory_space<vmem>>, %arg10: memref<512x16xf32, #tpu.memory_space<vmem>>, %arg11: memref<512xf32, #tpu.memory_space<vmem>>, %arg12: memref<48xf32, #tpu.memory_space<vmem>>, %arg13: memref<!tpu.dma_semaphore, #tpu.memory_space<semaphore_mem>>, %arg14: memref<!tpu.dma_semaphore, #tpu.memory_space<semaphore_mem>>) attributes {dimension_semantics = [#tpu.dimension_semantics<core_parallel>, #tpu.dimension_semantics<subcore_parallel>], iteration_bounds = array<i64: 2, 16>, scalar_prefetch = 0 : i64, scratch_operands = 9 : i64, tpu.core_type = #tpu.core_type<sc_vector_subcore>, window_params = [{transform_indices = #map}, {transform_indices = #map1}, {transform_indices = #map}, {transform_indices = #map}]} {
    %mul3A = arith.constant 2 : i32
    %mul3A_0 = arith.muli %arg1, %mul3A : i32
    %add3A = arith.addi %mul3A_0, %arg0 : i32
    %mul3A_1 = arith.constant 512 : i32
    %mul3A_2 = arith.muli %add3A, %mul3A_1 : i32
    %mul3A_3 = arith.constant 20 : i32
    %mul3A_4 = arith.muli %mul3A_2, %mul3A_3 : i32
    "tpu.region"() ({
      %run_scoped3A = tpu.sem_alloc : memref<!tpu.dma_semaphore, #tpu.memory_space<semaphore_mem>>
      %dma_start3A_93 = tpu.memref_slice %arg2[%mul3A_4] : memref<327680xi32, #tpu.memory_space<hbm>> -> memref<10240xi32, #tpu.memory_space<hbm>>
      %dma_start3A_94 = tpu.memref_slice %arg2[%mul3A_4] : memref<327680xi32, #tpu.memory_space<hbm>> -> memref<10240xi32, #tpu.memory_space<hbm>>
      tpu.enqueue_dma source(%dma_start3A_94 : memref<10240xi32, #tpu.memory_space<hbm>>) target(%arg6 : memref<10240xi32, #tpu.memory_space<vmem>>) target_semaphore(%run_scoped3A : memref<!tpu.dma_semaphore, #tpu.memory_space<semaphore_mem>>)
      %dma_wait3A = tpu.memref_slice %arg2[%mul3A_4] : memref<327680xi32, #tpu.memory_space<hbm>> -> memref<10240xi32, #tpu.memory_space<hbm>>
      %dma_wait3A_95 = tpu.memref_slice %arg2[%mul3A_4] : memref<327680xi32, #tpu.memory_space<hbm>> -> memref<10240xi32, #tpu.memory_space<hbm>>
      tpu.wait_dma2 semaphore(%run_scoped3A : memref<!tpu.dma_semaphore, #tpu.memory_space<semaphore_mem>>) src(%dma_wait3A_95 : memref<10240xi32, #tpu.memory_space<hbm>>) dst(%arg6 : memref<10240xi32, #tpu.memory_space<vmem>>)
      tpu.yield
    }) : () -> ()
    "tpu.region"() ({
      %run_scoped3A = tpu.sem_alloc : memref<!tpu.dma_semaphore, #tpu.memory_space<semaphore_mem>>
      tpu.enqueue_dma source(%arg4 : memref<48xf32, #tpu.memory_space<hbm>>) target(%arg12 : memref<48xf32, #tpu.memory_space<vmem>>) target_semaphore(%run_scoped3A : memref<!tpu.dma_semaphore, #tpu.memory_space<semaphore_mem>>)
      tpu.wait_dma2 semaphore(%run_scoped3A : memref<!tpu.dma_semaphore, #tpu.memory_space<semaphore_mem>>) src(%arg4 : memref<48xf32, #tpu.memory_space<hbm>>) dst(%arg12 : memref<48xf32, #tpu.memory_space<vmem>>)
      tpu.yield
    }) : () -> ()
    %iota3A = tpu.iota {dimensions = array<i32: 0>} : vector<16xi32>
    %broadcast_in_dim3A = arith.constant 0.000000e+00 : f32
    %broadcast_in_dim3A_5 = vector.broadcast %broadcast_in_dim3A : f32 to vector<16xf32>
    %scan3A = arith.constant 0 : i32
    %scan3A_6 = arith.constant 0 : i32
    %scan3A_7 = arith.constant 20 : i32
    %scan3A_8 = arith.addi %scan3A_6, %scan3A_7 : i32
    %scan3A_9 = arith.constant 1 : i32
    scf.for %scan3A_93 = %scan3A_6 to %scan3A_8 step %scan3A_9  : i32 {
      %scan3A_94 = arith.constant 0 : i32
      %scan3A_95 = arith.constant 0 : i32
      %scan3A_96 = arith.constant 32 : i32
      %scan3A_97 = arith.addi %scan3A_95, %scan3A_96 : i32
      %scan3A_98 = arith.constant 1 : i32
      scf.for %scan3A_100 = %scan3A_95 to %scan3A_97 step %scan3A_98  : i32 {
        %mul3A_101 = arith.constant 16 : i32
        %mul3A_102 = arith.muli %scan3A_100, %mul3A_101 : i32
        %add3A_103 = vector.broadcast %mul3A_102 : i32 to vector<16xi32>
        %add3A_104 = arith.addi %add3A_103, %iota3A : vector<16xi32>
        %mul3A_105 = arith.constant 20 : i32
        %mul3A_106 = vector.broadcast %mul3A_105 : i32 to vector<16xi32>
        %mul3A_107 = arith.muli %add3A_104, %mul3A_106 : vector<16xi32>
        %add3A_108 = vector.broadcast %scan3A_93 : i32 to vector<16xi32>
        %add3A_109 = arith.addi %mul3A_107, %add3A_108 : vector<16xi32>
        %gather3A = tpu.vector_load_idx %arg6[%add3A_109] : memref<10240xi32, #tpu.memory_space<vmem>>[vector<16xi32>], vector<16xi32>,
        %mul3A_110 = arith.constant 512 : i32
        %mul3A_111 = arith.muli %scan3A_93, %mul3A_110 : i32
        %mul3A_112 = arith.constant 16 : i32
        %mul3A_113 = arith.muli %scan3A_100, %mul3A_112 : i32
        %add3A_114 = arith.addi %mul3A_111, %mul3A_113 : i32
        %swap3A = arith.index_cast %add3A_114 : i32 to index
        %swap3A_115 = tpu.vector_load %arg7[%swap3A] {strides = array<i32>} : memref<10240xi32, #tpu.memory_space<vmem>>, vector<16xi32>,
        tpu.vector_store %arg7[%swap3A], %gather3A {strides = array<i32>} : memref<10240xi32, #tpu.memory_space<vmem>>, vector<16xi32>,
        %shift_right_logical3A = arith.constant 4 : i32
        %shift_right_logical3A_116 = vector.broadcast %shift_right_logical3A : i32 to vector<16xi32>
        %shift_right_logical3A_117 = arith.shrui %gather3A, %shift_right_logical3A_116 : vector<16xi32>
        %mul3A_118 = arith.constant 512 : i32
        %mul3A_119 = arith.muli %scan3A_93, %mul3A_118 : i32
        %mul3A_120 = arith.constant 16 : i32
        %mul3A_121 = arith.muli %scan3A_100, %mul3A_120 : i32
        %add3A_122 = arith.addi %mul3A_119, %mul3A_121 : i32
        %swap3A_123 = arith.index_cast %add3A_122 : i32 to index
        %swap3A_124 = tpu.vector_load %arg8[%swap3A_123] {strides = array<i32>} : memref<10240xi32, #tpu.memory_space<vmem>>, vector<16xi32>,
        tpu.vector_store %arg8[%swap3A_123], %shift_right_logical3A_117 {strides = array<i32>} : memref<10240xi32, #tpu.memory_space<vmem>>, vector<16xi32>,
      }
      %scan3A_99 = arith.constant 32 : i32
    }
    %scan3A_10 = arith.constant 20 : i32
    %scan3A_11 = arith.constant 0 : i32
    %scan3A_12 = arith.constant 0 : i32
    %scan3A_13 = arith.constant 32 : i32
    %scan3A_14 = arith.addi %scan3A_12, %scan3A_13 : i32
    %scan3A_15 = arith.constant 1 : i32
    scf.for %scan3A_93 = %scan3A_12 to %scan3A_14 step %scan3A_15  : i32 {
      %mul3A_94 = arith.constant 16 : i32
      %mul3A_95 = arith.muli %scan3A_93, %mul3A_94 : i32
      %swap3A = arith.index_cast %mul3A_95 : i32 to index
      %swap3A_96 = tpu.vector_load %arg11[%swap3A] {strides = array<i32>} : memref<512xf32, #tpu.memory_space<vmem>>, vector<16xf32>,
      tpu.vector_store %arg11[%swap3A], %broadcast_in_dim3A_5 {strides = array<i32>} : memref<512xf32, #tpu.memory_space<vmem>>, vector<16xf32>,
    }
    %scan3A_16 = arith.constant 32 : i32
    %dma_start3A = arith.constant 0 : i32
    %dma_start3A_17 = arith.constant 0 : i32
    %dma_start3A_18 = tpu.memref_slice %arg9[%dma_start3A, %dma_start3A_17] : memref<512x16xf32, #tpu.memory_space<vmem>> -> memref<128x16xf32, #tpu.memory_space<vmem>>
    %dma_start3A_19 = arith.constant 0 : i32
    %dma_start3A_20 = tpu.memref_slice %arg8[%dma_start3A_19] : memref<10240xi32, #tpu.memory_space<vmem>> -> memref<128xi32, #tpu.memory_space<vmem>>
    %dma_start3A_21 = arith.constant 0 : i32
    %dma_start3A_22 = arith.constant 0 : i32
    %dma_start3A_23 = tpu.memref_slice %arg3[%dma_start3A_21, %dma_start3A_22] : memref<65536x16xf32, #tpu.memory_space<hbm>> -> memref<65536x16xf32, #tpu.memory_space<hbm>>
    tpu.enqueue_indirect_dma source(%dma_start3A_23 : memref<65536x16xf32, #tpu.memory_space<hbm>>) target(%dma_start3A_18 : memref<128x16xf32, #tpu.memory_space<vmem>>) offsets(%dma_start3A_20 : memref<128xi32, #tpu.memory_space<vmem>>) semaphore(%arg13 : memref<!tpu.dma_semaphore, #tpu.memory_space<semaphore_mem>>)
    %dma_start3A_24 = arith.constant 128 : i32
    %dma_start3A_25 = arith.constant 0 : i32
    %dma_start3A_26 = tpu.memref_slice %arg9[%dma_start3A_24, %dma_start3A_25] : memref<512x16xf32, #tpu.memory_space<vmem>> -> memref<128x16xf32, #tpu.memory_space<vmem>>
    %dma_start3A_27 = arith.constant 128 : i32
    %dma_start3A_28 = tpu.memref_slice %arg8[%dma_start3A_27] : memref<10240xi32, #tpu.memory_space<vmem>> -> memref<128xi32, #tpu.memory_space<vmem>>
    %dma_start3A_29 = arith.constant 0 : i32
    %dma_start3A_30 = arith.constant 0 : i32
    %dma_start3A_31 = tpu.memref_slice %arg3[%dma_start3A_29, %dma_start3A_30] : memref<65536x16xf32, #tpu.memory_space<hbm>> -> memref<65536x16xf32, #tpu.memory_space<hbm>>
    tpu.enqueue_indirect_dma source(%dma_start3A_31 : memref<65536x16xf32, #tpu.memory_space<hbm>>) target(%dma_start3A_26 : memref<128x16xf32, #tpu.memory_space<vmem>>) offsets(%dma_start3A_28 : memref<128xi32, #tpu.memory_space<vmem>>) semaphore(%arg13 : memref<!tpu.dma_semaphore, #tpu.memory_space<semaphore_mem>>)
    %dma_start3A_32 = arith.constant 256 : i32
    %dma_start3A_33 = arith.constant 0 : i32
    %dma_start3A_34 = tpu.memref_slice %arg9[%dma_start3A_32, %dma_start3A_33] : memref<512x16xf32, #tpu.memory_space<vmem>> -> memref<128x16xf32, #tpu.memory_space<vmem>>
    %dma_start3A_35 = arith.constant 256 : i32
    %dma_start3A_36 = tpu.memref_slice %arg8[%dma_start3A_35] : memref<10240xi32, #tpu.memory_space<vmem>> -> memref<128xi32, #tpu.memory_space<vmem>>
    %dma_start3A_37 = arith.constant 0 : i32
    %dma_start3A_38 = arith.constant 0 : i32
    %dma_start3A_39 = tpu.memref_slice %arg3[%dma_start3A_37, %dma_start3A_38] : memref<65536x16xf32, #tpu.memory_space<hbm>> -> memref<65536x16xf32, #tpu.memory_space<hbm>>
    tpu.enqueue_indirect_dma source(%dma_start3A_39 : memref<65536x16xf32, #tpu.memory_space<hbm>>) target(%dma_start3A_34 : memref<128x16xf32, #tpu.memory_space<vmem>>) offsets(%dma_start3A_36 : memref<128xi32, #tpu.memory_space<vmem>>) semaphore(%arg13 : memref<!tpu.dma_semaphore, #tpu.memory_space<semaphore_mem>>)
    %dma_start3A_40 = arith.constant 384 : i32
    %dma_start3A_41 = arith.constant 0 : i32
    %dma_start3A_42 = tpu.memref_slice %arg9[%dma_start3A_40, %dma_start3A_41] : memref<512x16xf32, #tpu.memory_space<vmem>> -> memref<128x16xf32, #tpu.memory_space<vmem>>
    %dma_start3A_43 = arith.constant 384 : i32
    %dma_start3A_44 = tpu.memref_slice %arg8[%dma_start3A_43] : memref<10240xi32, #tpu.memory_space<vmem>> -> memref<128xi32, #tpu.memory_space<vmem>>
    %dma_start3A_45 = arith.constant 0 : i32
    %dma_start3A_46 = arith.constant 0 : i32
    %dma_start3A_47 = tpu.memref_slice %arg3[%dma_start3A_45, %dma_start3A_46] : memref<65536x16xf32, #tpu.memory_space<hbm>> -> memref<65536x16xf32, #tpu.memory_space<hbm>>
    tpu.enqueue_indirect_dma source(%dma_start3A_47 : memref<65536x16xf32, #tpu.memory_space<hbm>>) target(%dma_start3A_42 : memref<128x16xf32, #tpu.memory_space<vmem>>) offsets(%dma_start3A_44 : memref<128xi32, #tpu.memory_space<vmem>>) semaphore(%arg13 : memref<!tpu.dma_semaphore, #tpu.memory_space<semaphore_mem>>)
    %dma_start3A_48 = arith.constant 0 : i32
    %dma_start3A_49 = arith.constant 0 : i32
    %dma_start3A_50 = tpu.memref_slice %arg10[%dma_start3A_48, %dma_start3A_49] : memref<512x16xf32, #tpu.memory_space<vmem>> -> memref<128x16xf32, #tpu.memory_space<vmem>>
    %dma_start3A_51 = arith.constant 512 : i32
    %dma_start3A_52 = tpu.memref_slice %arg8[%dma_start3A_51] : memref<10240xi32, #tpu.memory_space<vmem>> -> memref<128xi32, #tpu.memory_space<vmem>>
    %dma_start3A_53 = arith.constant 0 : i32
    %dma_start3A_54 = arith.constant 0 : i32
    %dma_start3A_55 = tpu.memref_slice %arg3[%dma_start3A_53, %dma_start3A_54] : memref<65536x16xf32, #tpu.memory_space<hbm>> -> memref<65536x16xf32, #tpu.memory_space<hbm>>
    tpu.enqueue_indirect_dma source(%dma_start3A_55 : memref<65536x16xf32, #tpu.memory_space<hbm>>) target(%dma_start3A_50 : memref<128x16xf32, #tpu.memory_space<vmem>>) offsets(%dma_start3A_52 : memref<128xi32, #tpu.memory_space<vmem>>) semaphore(%arg14 : memref<!tpu.dma_semaphore, #tpu.memory_space<semaphore_mem>>)
    %dma_start3A_56 = arith.constant 128 : i32
    %dma_start3A_57 = arith.constant 0 : i32
    %dma_start3A_58 = tpu.memref_slice %arg10[%dma_start3A_56, %dma_start3A_57] : memref<512x16xf32, #tpu.memory_space<vmem>> -> memref<128x16xf32, #tpu.memory_space<vmem>>
    %dma_start3A_59 = arith.constant 640 : i32
    %dma_start3A_60 = tpu.memref_slice %arg8[%dma_start3A_59] : memref<10240xi32, #tpu.memory_space<vmem>> -> memref<128xi32, #tpu.memory_space<vmem>>
    %dma_start3A_61 = arith.constant 0 : i32
    %dma_start3A_62 = arith.constant 0 : i32
    %dma_start3A_63 = tpu.memref_slice %arg3[%dma_start3A_61, %dma_start3A_62] : memref<65536x16xf32, #tpu.memory_space<hbm>> -> memref<65536x16xf32, #tpu.memory_space<hbm>>
    tpu.enqueue_indirect_dma source(%dma_start3A_63 : memref<65536x16xf32, #tpu.memory_space<hbm>>) target(%dma_start3A_58 : memref<128x16xf32, #tpu.memory_space<vmem>>) offsets(%dma_start3A_60 : memref<128xi32, #tpu.memory_space<vmem>>) semaphore(%arg14 : memref<!tpu.dma_semaphore, #tpu.memory_space<semaphore_mem>>)
    %dma_start3A_64 = arith.constant 256 : i32
    %dma_start3A_65 = arith.constant 0 : i32
    %dma_start3A_66 = tpu.memref_slice %arg10[%dma_start3A_64, %dma_start3A_65] : memref<512x16xf32, #tpu.memory_space<vmem>> -> memref<128x16xf32, #tpu.memory_space<vmem>>
    %dma_start3A_67 = arith.constant 768 : i32
    %dma_start3A_68 = tpu.memref_slice %arg8[%dma_start3A_67] : memref<10240xi32, #tpu.memory_space<vmem>> -> memref<128xi32, #tpu.memory_space<vmem>>
    %dma_start3A_69 = arith.constant 0 : i32
    %dma_start3A_70 = arith.constant 0 : i32
    %dma_start3A_71 = tpu.memref_slice %arg3[%dma_start3A_69, %dma_start3A_70] : memref<65536x16xf32, #tpu.memory_space<hbm>> -> memref<65536x16xf32, #tpu.memory_space<hbm>>
    tpu.enqueue_indirect_dma source(%dma_start3A_71 : memref<65536x16xf32, #tpu.memory_space<hbm>>) target(%dma_start3A_66 : memref<128x16xf32, #tpu.memory_space<vmem>>) offsets(%dma_start3A_68 : memref<128xi32, #tpu.memory_space<vmem>>) semaphore(%arg14 : memref<!tpu.dma_semaphore, #tpu.memory_space<semaphore_mem>>)
    %dma_start3A_72 = arith.constant 384 : i32
    %dma_start3A_73 = arith.constant 0 : i32
    %dma_start3A_74 = tpu.memref_slice %arg10[%dma_start3A_72, %dma_start3A_73] : memref<512x16xf32, #tpu.memory_space<vmem>> -> memref<128x16xf32, #tpu.memory_space<vmem>>
    %dma_start3A_75 = arith.constant 896 : i32
    %dma_start3A_76 = tpu.memref_slice %arg8[%dma_start3A_75] : memref<10240xi32, #tpu.memory_space<vmem>> -> memref<128xi32, #tpu.memory_space<vmem>>
    %dma_start3A_77 = arith.constant 0 : i32
    %dma_start3A_78 = arith.constant 0 : i32
    %dma_start3A_79 = tpu.memref_slice %arg3[%dma_start3A_77, %dma_start3A_78] : memref<65536x16xf32, #tpu.memory_space<hbm>> -> memref<65536x16xf32, #tpu.memory_space<hbm>>
    tpu.enqueue_indirect_dma source(%dma_start3A_79 : memref<65536x16xf32, #tpu.memory_space<hbm>>) target(%dma_start3A_74 : memref<128x16xf32, #tpu.memory_space<vmem>>) offsets(%dma_start3A_76 : memref<128xi32, #tpu.memory_space<vmem>>) semaphore(%arg14 : memref<!tpu.dma_semaphore, #tpu.memory_space<semaphore_mem>>)
    %scan3A_80 = arith.constant 0 : i32
    %scan3A_81 = arith.constant 0 : i32
    %scan3A_82 = arith.constant 10 : i32
    %scan3A_83 = arith.addi %scan3A_81, %scan3A_82 : i32
    %scan3A_84 = arith.constant 1 : i32
    scf.for %scan3A_93 = %scan3A_81 to %scan3A_83 step %scan3A_84  : i32 {
      %mul3A_94 = arith.constant 2 : i32
      %mul3A_95 = arith.muli %mul3A_94, %scan3A_93 : i32
      %dma_wait3A = arith.constant 0 : i32
      %dma_wait3A_96 = tpu.memref_slice %arg8[%dma_wait3A] : memref<10240xi32, #tpu.memory_space<vmem>> -> memref<512xi32, #tpu.memory_space<vmem>>
      %dma_wait3A_97 = arith.constant 0 : i32
      %dma_wait3A_98 = arith.constant 0 : i32
      %dma_wait3A_99 = tpu.memref_slice %arg3[%dma_wait3A_97, %dma_wait3A_98] : memref<65536x16xf32, #tpu.memory_space<hbm>> -> memref<65536x16xf32, #tpu.memory_space<hbm>>
      tpu.wait_indirect_dma semaphore(%arg13 : memref<!tpu.dma_semaphore, #tpu.memory_space<semaphore_mem>>) src(%dma_wait3A_99 : memref<65536x16xf32, #tpu.memory_space<hbm>>) dst(%arg9 : memref<512x16xf32, #tpu.memory_space<vmem>>)
      %get3A_100 = arith.index_cast %mul3A_95 : i32 to index
      %get3A_101 = tpu.vector_load %arg12[%get3A_100] {strides = array<i32>} : memref<48xf32, #tpu.memory_space<vmem>>, vector<16xf32>,
      %slice3A_102 = vector.extract_strided_slice %get3A_101 {offsets = [0], sizes = [1], strides = [1]} : vector<16xf32> to vector<1xf32>
      %squeeze3A_103 = vector.extract %slice3A_102[0] : f32 from vector<1xf32>
      %scan3A_104 = arith.constant 0 : i32
      %scan3A_105 = arith.constant 0 : i32
      %scan3A_106 = arith.constant 32 : i32
      %scan3A_107 = arith.addi %scan3A_105, %scan3A_106 : i32
      %scan3A_108 = arith.constant 1 : i32
      scf.for %scan3A_134 = %scan3A_105 to %scan3A_107 step %scan3A_108  : i32 {
        %mul3A_135 = arith.constant 16 : i32
        %mul3A_136 = arith.muli %scan3A_134, %mul3A_135 : i32
        %mul3A_137 = arith.constant 512 : i32
        %mul3A_138 = arith.muli %mul3A_95, %mul3A_137 : i32
        %add3A_139 = arith.addi %mul3A_138, %mul3A_136 : i32
        %get3A_140 = arith.index_cast %add3A_139 : i32 to index
        %get3A_141 = tpu.vector_load %arg7[%get3A_140] {strides = array<i32>} : memref<10240xi32, #tpu.memory_space<vmem>>, vector<16xi32>,
        %and3A = arith.constant 15 : i32
        %and3A_142 = vector.broadcast %and3A : i32 to vector<16xi32>
        %and3A_143 = arith.andi %get3A_141, %and3A_142 : vector<16xi32>
        %add3A_144 = vector.broadcast %mul3A_136 : i32 to vector<16xi32>
        %add3A_145 = arith.addi %add3A_144, %iota3A : vector<16xi32>
        %gather3A = tpu.vector_load_idx %arg9[%add3A_145, %and3A_143] : memref<512x16xf32, #tpu.memory_space<vmem>>[vector<16xi32>, vector<16xi32>], vector<16xf32>,
        %ne3A = arith.constant 0 : i32
        %ne3A_146 = vector.broadcast %ne3A : i32 to vector<16xi32>
        %ne3A_147 = arith.cmpi ne, %get3A_141, %ne3A_146 : vector<16xi32>
        %jit3A = arith.constant 0.000000e+00 : f32
        %broadcast_in_dim3A_148 = vector.broadcast %jit3A : f32 to vector<16xf32>
        %select_n3A = arith.select %ne3A_147, %gather3A, %broadcast_in_dim3A_148 : vector<16xi1>, vector<16xf32>
        %mul3A_149 = vector.broadcast %squeeze3A_103 : f32 to vector<16xf32>
        %mul3A_150 = arith.mulf %select_n3A, %mul3A_149 : vector<16xf32>
        %get3A_151 = arith.index_cast %mul3A_136 : i32 to index
        %get3A_152 = tpu.vector_load %arg11[%get3A_151] {strides = array<i32>} : memref<512xf32, #tpu.memory_space<vmem>>, vector<16xf32>,
        %add3A_153 = arith.addf %get3A_152, %mul3A_150 : vector<16xf32>
        %swap3A = arith.index_cast %mul3A_136 : i32 to index
        %swap3A_154 = tpu.vector_load %arg11[%swap3A] {strides = array<i32>} : memref<512xf32, #tpu.memory_space<vmem>>, vector<16xf32>,
        tpu.vector_store %arg11[%swap3A], %add3A_153 {strides = array<i32>} : memref<512xf32, #tpu.memory_space<vmem>>, vector<16xf32>,
      }
      %scan3A_109 = arith.constant 32 : i32
      %lt3A = arith.constant 9 : i32
      %lt3A_110 = arith.cmpi slt, %scan3A_93, %lt3A : i32
      %convert_element_type3A = arith.extui %lt3A_110 : i1 to i32
      %cond3A = arith.constant 0 : i32
      %cond3A_111 = arith.cmpi ne, %convert_element_type3A, %cond3A : i32
      scf.if %cond3A_111 {
        %add3A_134 = arith.constant 2 : i32
        %add3A_135 = arith.addi %mul3A_95, %add3A_134 : i32
        %mul3A_136 = arith.constant 512 : i32
        %mul3A_137 = arith.muli %add3A_135, %mul3A_136 : i32
        %add3A_138 = arith.constant 0 : i32
        %add3A_139 = arith.addi %mul3A_137, %add3A_138 : i32
        %dma_start3A_140 = arith.constant 0 : i32
        %dma_start3A_141 = arith.constant 0 : i32
        %dma_start3A_142 = tpu.memref_slice %arg9[%dma_start3A_140, %dma_start3A_141] : memref<512x16xf32, #tpu.memory_space<vmem>> -> memref<128x16xf32, #tpu.memory_space<vmem>>
        %dma_start3A_143 = tpu.memref_slice %arg8[%add3A_139] : memref<10240xi32, #tpu.memory_space<vmem>> -> memref<128xi32, #tpu.memory_space<vmem>>
        %dma_start3A_144 = arith.constant 0 : i32
        %dma_start3A_145 = arith.constant 0 : i32
        %dma_start3A_146 = tpu.memref_slice %arg3[%dma_start3A_144, %dma_start3A_145] : memref<65536x16xf32, #tpu.memory_space<hbm>> -> memref<65536x16xf32, #tpu.memory_space<hbm>>
        tpu.enqueue_indirect_dma source(%dma_start3A_146 : memref<65536x16xf32, #tpu.memory_space<hbm>>) target(%dma_start3A_142 : memref<128x16xf32, #tpu.memory_space<vmem>>) offsets(%dma_start3A_143 : memref<128xi32, #tpu.memory_space<vmem>>) semaphore(%arg13 : memref<!tpu.dma_semaphore, #tpu.memory_space<semaphore_mem>>)
        %mul3A_147 = arith.constant 512 : i32
        %mul3A_148 = arith.muli %add3A_135, %mul3A_147 : i32
        %add3A_149 = arith.constant 128 : i32
        %add3A_150 = arith.addi %mul3A_148, %add3A_149 : i32
        %dma_start3A_151 = arith.constant 128 : i32
        %dma_start3A_152 = arith.constant 0 : i32
        %dma_start3A_153 = tpu.memref_slice %arg9[%dma_start3A_151, %dma_start3A_152] : memref<512x16xf32, #tpu.memory_space<vmem>> -> memref<128x16xf32, #tpu.memory_space<vmem>>
        %dma_start3A_154 = tpu.memref_slice %arg8[%add3A_150] : memref<10240xi32, #tpu.memory_space<vmem>> -> memref<128xi32, #tpu.memory_space<vmem>>
        %dma_start3A_155 = arith.constant 0 : i32
        %dma_start3A_156 = arith.constant 0 : i32
        %dma_start3A_157 = tpu.memref_slice %arg3[%dma_start3A_155, %dma_start3A_156] : memref<65536x16xf32, #tpu.memory_space<hbm>> -> memref<65536x16xf32, #tpu.memory_space<hbm>>
        tpu.enqueue_indirect_dma source(%dma_start3A_157 : memref<65536x16xf32, #tpu.memory_space<hbm>>) target(%dma_start3A_153 : memref<128x16xf32, #tpu.memory_space<vmem>>) offsets(%dma_start3A_154 : memref<128xi32, #tpu.memory_space<vmem>>) semaphore(%arg13 : memref<!tpu.dma_semaphore, #tpu.memory_space<semaphore_mem>>)
        %mul3A_158 = arith.constant 512 : i32
        %mul3A_159 = arith.muli %add3A_135, %mul3A_158 : i32
        %add3A_160 = arith.constant 256 : i32
        %add3A_161 = arith.addi %mul3A_159, %add3A_160 : i32
        %dma_start3A_162 = arith.constant 256 : i32
        %dma_start3A_163 = arith.constant 0 : i32
        %dma_start3A_164 = tpu.memref_slice %arg9[%dma_start3A_162, %dma_start3A_163] : memref<512x16xf32, #tpu.memory_space<vmem>> -> memref<128x16xf32, #tpu.memory_space<vmem>>
        %dma_start3A_165 = tpu.memref_slice %arg8[%add3A_161] : memref<10240xi32, #tpu.memory_space<vmem>> -> memref<128xi32, #tpu.memory_space<vmem>>
        %dma_start3A_166 = arith.constant 0 : i32
        %dma_start3A_167 = arith.constant 0 : i32
        %dma_start3A_168 = tpu.memref_slice %arg3[%dma_start3A_166, %dma_start3A_167] : memref<65536x16xf32, #tpu.memory_space<hbm>> -> memref<65536x16xf32, #tpu.memory_space<hbm>>
        tpu.enqueue_indirect_dma source(%dma_start3A_168 : memref<65536x16xf32, #tpu.memory_space<hbm>>) target(%dma_start3A_164 : memref<128x16xf32, #tpu.memory_space<vmem>>) offsets(%dma_start3A_165 : memref<128xi32, #tpu.memory_space<vmem>>) semaphore(%arg13 : memref<!tpu.dma_semaphore, #tpu.memory_space<semaphore_mem>>)
        %mul3A_169 = arith.constant 512 : i32
        %mul3A_170 = arith.muli %add3A_135, %mul3A_169 : i32
        %add3A_171 = arith.constant 384 : i32
        %add3A_172 = arith.addi %mul3A_170, %add3A_171 : i32
        %dma_start3A_173 = arith.constant 384 : i32
        %dma_start3A_174 = arith.constant 0 : i32
        %dma_start3A_175 = tpu.memref_slice %arg9[%dma_start3A_173, %dma_start3A_174] : memref<512x16xf32, #tpu.memory_space<vmem>> -> memref<128x16xf32, #tpu.memory_space<vmem>>
        %dma_start3A_176 = tpu.memref_slice %arg8[%add3A_172] : memref<10240xi32, #tpu.memory_space<vmem>> -> memref<128xi32, #tpu.memory_space<vmem>>
        %dma_start3A_177 = arith.constant 0 : i32
        %dma_start3A_178 = arith.constant 0 : i32
        %dma_start3A_179 = tpu.memref_slice %arg3[%dma_start3A_177, %dma_start3A_178] : memref<65536x16xf32, #tpu.memory_space<hbm>> -> memref<65536x16xf32, #tpu.memory_space<hbm>>
        tpu.enqueue_indirect_dma source(%dma_start3A_179 : memref<65536x16xf32, #tpu.memory_space<hbm>>) target(%dma_start3A_175 : memref<128x16xf32, #tpu.memory_space<vmem>>) offsets(%dma_start3A_176 : memref<128xi32, #tpu.memory_space<vmem>>) semaphore(%arg13 : memref<!tpu.dma_semaphore, #tpu.memory_space<semaphore_mem>>)
      } else {
      }
      %dma_wait3A_112 = arith.constant 0 : i32
      %dma_wait3A_113 = tpu.memref_slice %arg8[%dma_wait3A_112] : memref<10240xi32, #tpu.memory_space<vmem>> -> memref<512xi32, #tpu.memory_space<vmem>>
      %dma_wait3A_114 = arith.constant 0 : i32
      %dma_wait3A_115 = arith.constant 0 : i32
      %dma_wait3A_116 = tpu.memref_slice %arg3[%dma_wait3A_114, %dma_wait3A_115] : memref<65536x16xf32, #tpu.memory_space<hbm>> -> memref<65536x16xf32, #tpu.memory_space<hbm>>
      tpu.wait_indirect_dma semaphore(%arg14 : memref<!tpu.dma_semaphore, #tpu.memory_space<semaphore_mem>>) src(%dma_wait3A_116 : memref<65536x16xf32, #tpu.memory_space<hbm>>) dst(%arg10 : memref<512x16xf32, #tpu.memory_space<vmem>>)
      %add3A_117 = arith.constant 1 : i32
      %add3A_118 = arith.addi %mul3A_95, %add3A_117 : i32
      %get3A_119 = arith.index_cast %add3A_118 : i32 to index
      %get3A_120 = tpu.vector_load %arg12[%get3A_119] {strides = array<i32>} : memref<48xf32, #tpu.memory_space<vmem>>, vector<16xf32>,
      %slice3A_121 = vector.extract_strided_slice %get3A_120 {offsets = [0], sizes = [1], strides = [1]} : vector<16xf32> to vector<1xf32>
      %squeeze3A_122 = vector.extract %slice3A_121[0] : f32 from vector<1xf32>
      %scan3A_123 = arith.constant 0 : i32
      %scan3A_124 = arith.constant 0 : i32
      %scan3A_125 = arith.constant 32 : i32
      %scan3A_126 = arith.addi %scan3A_124, %scan3A_125 : i32
      %scan3A_127 = arith.constant 1 : i32
      scf.for %scan3A_134 = %scan3A_124 to %scan3A_126 step %scan3A_127  : i32 {
        %mul3A_135 = arith.constant 16 : i32
        %mul3A_136 = arith.muli %scan3A_134, %mul3A_135 : i32
        %mul3A_137 = arith.constant 512 : i32
        %mul3A_138 = arith.muli %add3A_118, %mul3A_137 : i32
        %add3A_139 = arith.addi %mul3A_138, %mul3A_136 : i32
        %get3A_140 = arith.index_cast %add3A_139 : i32 to index
        %get3A_141 = tpu.vector_load %arg7[%get3A_140] {strides = array<i32>} : memref<10240xi32, #tpu.memory_space<vmem>>, vector<16xi32>,
        %and3A = arith.constant 15 : i32
        %and3A_142 = vector.broadcast %and3A : i32 to vector<16xi32>
        %and3A_143 = arith.andi %get3A_141, %and3A_142 : vector<16xi32>
        %add3A_144 = vector.broadcast %mul3A_136 : i32 to vector<16xi32>
        %add3A_145 = arith.addi %add3A_144, %iota3A : vector<16xi32>
        %gather3A = tpu.vector_load_idx %arg10[%add3A_145, %and3A_143] : memref<512x16xf32, #tpu.memory_space<vmem>>[vector<16xi32>, vector<16xi32>], vector<16xf32>,
        %ne3A = arith.constant 0 : i32
        %ne3A_146 = vector.broadcast %ne3A : i32 to vector<16xi32>
        %ne3A_147 = arith.cmpi ne, %get3A_141, %ne3A_146 : vector<16xi32>
        %jit3A = arith.constant 0.000000e+00 : f32
        %broadcast_in_dim3A_148 = vector.broadcast %jit3A : f32 to vector<16xf32>
        %select_n3A = arith.select %ne3A_147, %gather3A, %broadcast_in_dim3A_148 : vector<16xi1>, vector<16xf32>
        %mul3A_149 = vector.broadcast %squeeze3A_122 : f32 to vector<16xf32>
        %mul3A_150 = arith.mulf %select_n3A, %mul3A_149 : vector<16xf32>
        %get3A_151 = arith.index_cast %mul3A_136 : i32 to index
        %get3A_152 = tpu.vector_load %arg11[%get3A_151] {strides = array<i32>} : memref<512xf32, #tpu.memory_space<vmem>>, vector<16xf32>,
        %add3A_153 = arith.addf %get3A_152, %mul3A_150 : vector<16xf32>
        %swap3A = arith.index_cast %mul3A_136 : i32 to index
        %swap3A_154 = tpu.vector_load %arg11[%swap3A] {strides = array<i32>} : memref<512xf32, #tpu.memory_space<vmem>>, vector<16xf32>,
        tpu.vector_store %arg11[%swap3A], %add3A_153 {strides = array<i32>} : memref<512xf32, #tpu.memory_space<vmem>>, vector<16xf32>,
      }
      %scan3A_128 = arith.constant 32 : i32
      %lt3A_129 = arith.constant 9 : i32
      %lt3A_130 = arith.cmpi slt, %scan3A_93, %lt3A_129 : i32
      %convert_element_type3A_131 = arith.extui %lt3A_130 : i1 to i32
      %cond3A_132 = arith.constant 0 : i32
      %cond3A_133 = arith.cmpi ne, %convert_element_type3A_131, %cond3A_132 : i32
      scf.if %cond3A_133 {
        %add3A_134 = arith.constant 3 : i32
        %add3A_135 = arith.addi %mul3A_95, %add3A_134 : i32
        %mul3A_136 = arith.constant 512 : i32
        %mul3A_137 = arith.muli %add3A_135, %mul3A_136 : i32
        %add3A_138 = arith.constant 0 : i32
        %add3A_139 = arith.addi %mul3A_137, %add3A_138 : i32
        %dma_start3A_140 = arith.constant 0 : i32
        %dma_start3A_141 = arith.constant 0 : i32
        %dma_start3A_142 = tpu.memref_slice %arg10[%dma_start3A_140, %dma_start3A_141] : memref<512x16xf32, #tpu.memory_space<vmem>> -> memref<128x16xf32, #tpu.memory_space<vmem>>
        %dma_start3A_143 = tpu.memref_slice %arg8[%add3A_139] : memref<10240xi32, #tpu.memory_space<vmem>> -> memref<128xi32, #tpu.memory_space<vmem>>
        %dma_start3A_144 = arith.constant 0 : i32
        %dma_start3A_145 = arith.constant 0 : i32
        %dma_start3A_146 = tpu.memref_slice %arg3[%dma_start3A_144, %dma_start3A_145] : memref<65536x16xf32, #tpu.memory_space<hbm>> -> memref<65536x16xf32, #tpu.memory_space<hbm>>
        tpu.enqueue_indirect_dma source(%dma_start3A_146 : memref<65536x16xf32, #tpu.memory_space<hbm>>) target(%dma_start3A_142 : memref<128x16xf32, #tpu.memory_space<vmem>>) offsets(%dma_start3A_143 : memref<128xi32, #tpu.memory_space<vmem>>) semaphore(%arg14 : memref<!tpu.dma_semaphore, #tpu.memory_space<semaphore_mem>>)
        %mul3A_147 = arith.constant 512 : i32
        %mul3A_148 = arith.muli %add3A_135, %mul3A_147 : i32
        %add3A_149 = arith.constant 128 : i32
        %add3A_150 = arith.addi %mul3A_148, %add3A_149 : i32
        %dma_start3A_151 = arith.constant 128 : i32
        %dma_start3A_152 = arith.constant 0 : i32
        %dma_start3A_153 = tpu.memref_slice %arg10[%dma_start3A_151, %dma_start3A_152] : memref<512x16xf32, #tpu.memory_space<vmem>> -> memref<128x16xf32, #tpu.memory_space<vmem>>
        %dma_start3A_154 = tpu.memref_slice %arg8[%add3A_150] : memref<10240xi32, #tpu.memory_space<vmem>> -> memref<128xi32, #tpu.memory_space<vmem>>
        %dma_start3A_155 = arith.constant 0 : i32
        %dma_start3A_156 = arith.constant 0 : i32
        %dma_start3A_157 = tpu.memref_slice %arg3[%dma_start3A_155, %dma_start3A_156] : memref<65536x16xf32, #tpu.memory_space<hbm>> -> memref<65536x16xf32, #tpu.memory_space<hbm>>
        tpu.enqueue_indirect_dma source(%dma_start3A_157 : memref<65536x16xf32, #tpu.memory_space<hbm>>) target(%dma_start3A_153 : memref<128x16xf32, #tpu.memory_space<vmem>>) offsets(%dma_start3A_154 : memref<128xi32, #tpu.memory_space<vmem>>) semaphore(%arg14 : memref<!tpu.dma_semaphore, #tpu.memory_space<semaphore_mem>>)
        %mul3A_158 = arith.constant 512 : i32
        %mul3A_159 = arith.muli %add3A_135, %mul3A_158 : i32
        %add3A_160 = arith.constant 256 : i32
        %add3A_161 = arith.addi %mul3A_159, %add3A_160 : i32
        %dma_start3A_162 = arith.constant 256 : i32
        %dma_start3A_163 = arith.constant 0 : i32
        %dma_start3A_164 = tpu.memref_slice %arg10[%dma_start3A_162, %dma_start3A_163] : memref<512x16xf32, #tpu.memory_space<vmem>> -> memref<128x16xf32, #tpu.memory_space<vmem>>
        %dma_start3A_165 = tpu.memref_slice %arg8[%add3A_161] : memref<10240xi32, #tpu.memory_space<vmem>> -> memref<128xi32, #tpu.memory_space<vmem>>
        %dma_start3A_166 = arith.constant 0 : i32
        %dma_start3A_167 = arith.constant 0 : i32
        %dma_start3A_168 = tpu.memref_slice %arg3[%dma_start3A_166, %dma_start3A_167] : memref<65536x16xf32, #tpu.memory_space<hbm>> -> memref<65536x16xf32, #tpu.memory_space<hbm>>
        tpu.enqueue_indirect_dma source(%dma_start3A_168 : memref<65536x16xf32, #tpu.memory_space<hbm>>) target(%dma_start3A_164 : memref<128x16xf32, #tpu.memory_space<vmem>>) offsets(%dma_start3A_165 : memref<128xi32, #tpu.memory_space<vmem>>) semaphore(%arg14 : memref<!tpu.dma_semaphore, #tpu.memory_space<semaphore_mem>>)
        %mul3A_169 = arith.constant 512 : i32
        %mul3A_170 = arith.muli %add3A_135, %mul3A_169 : i32
        %add3A_171 = arith.constant 384 : i32
        %add3A_172 = arith.addi %mul3A_170, %add3A_171 : i32
        %dma_start3A_173 = arith.constant 384 : i32
        %dma_start3A_174 = arith.constant 0 : i32
        %dma_start3A_175 = tpu.memref_slice %arg10[%dma_start3A_173, %dma_start3A_174] : memref<512x16xf32, #tpu.memory_space<vmem>> -> memref<128x16xf32, #tpu.memory_space<vmem>>
        %dma_start3A_176 = tpu.memref_slice %arg8[%add3A_172] : memref<10240xi32, #tpu.memory_space<vmem>> -> memref<128xi32, #tpu.memory_space<vmem>>
        %dma_start3A_177 = arith.constant 0 : i32
        %dma_start3A_178 = arith.constant 0 : i32
        %dma_start3A_179 = tpu.memref_slice %arg3[%dma_start3A_177, %dma_start3A_178] : memref<65536x16xf32, #tpu.memory_space<hbm>> -> memref<65536x16xf32, #tpu.memory_space<hbm>>
        tpu.enqueue_indirect_dma source(%dma_start3A_179 : memref<65536x16xf32, #tpu.memory_space<hbm>>) target(%dma_start3A_175 : memref<128x16xf32, #tpu.memory_space<vmem>>) offsets(%dma_start3A_176 : memref<128xi32, #tpu.memory_space<vmem>>) semaphore(%arg14 : memref<!tpu.dma_semaphore, #tpu.memory_space<semaphore_mem>>)
      } else {
      }
    }
    %scan3A_85 = arith.constant 10 : i32
    %get3A = arith.constant 20 : index
    %get3A_86 = tpu.vector_load %arg12[%get3A] {strides = array<i32>} : memref<48xf32, #tpu.memory_space<vmem>>, vector<16xf32>,
    %slice3A = vector.extract_strided_slice %get3A_86 {offsets = [0], sizes = [1], strides = [1]} : vector<16xf32> to vector<1xf32>
    %squeeze3A = vector.extract %slice3A[0] : f32 from vector<1xf32>
    %scan3A_87 = arith.constant 0 : i32
    %scan3A_88 = arith.constant 0 : i32
    %scan3A_89 = arith.constant 32 : i32
    %scan3A_90 = arith.addi %scan3A_88, %scan3A_89 : i32
    %scan3A_91 = arith.constant 1 : i32
    scf.for %scan3A_93 = %scan3A_88 to %scan3A_90 step %scan3A_91  : i32 {
      %mul3A_94 = arith.constant 16 : i32
      %mul3A_95 = arith.muli %scan3A_93, %mul3A_94 : i32
      %get3A_96 = arith.index_cast %mul3A_95 : i32 to index
      %get3A_97 = tpu.vector_load %arg11[%get3A_96] {strides = array<i32>} : memref<512xf32, #tpu.memory_space<vmem>>, vector<16xf32>,
      %add3A_98 = vector.broadcast %squeeze3A : f32 to vector<16xf32>
      %add3A_99 = arith.addf %get3A_97, %add3A_98 : vector<16xf32>
      %neg3A = arith.constant 0.000000e+00 : f32
      %neg3A_100 = vector.broadcast %neg3A : f32 to vector<16xf32>
      %neg3A_101 = arith.subf %neg3A_100, %add3A_99 : vector<16xf32>
      %exp3A = math.exp %neg3A_101 : vector<16xf32>
      %add3A_102 = arith.constant 1.000000e+00 : f32
      %add3A_103 = vector.broadcast %add3A_102 : f32 to vector<16xf32>
      %add3A_104 = arith.addf %add3A_103, %exp3A : vector<16xf32>
      %div3A = arith.constant 1.000000e+00 : f32
      %div3A_105 = vector.broadcast %div3A : f32 to vector<16xf32>
      %div3A_106 = arith.divf %div3A_105, %add3A_104 : vector<16xf32>
      %mul3A_107 = arith.constant 16 : i32
      %mul3A_108 = arith.muli %scan3A_93, %mul3A_107 : i32
      %swap3A = arith.index_cast %mul3A_108 : i32 to index
      %swap3A_109 = tpu.vector_load %arg11[%swap3A] {strides = array<i32>} : memref<512xf32, #tpu.memory_space<vmem>>, vector<16xf32>,
      tpu.vector_store %arg11[%swap3A], %div3A_106 {strides = array<i32>} : memref<512xf32, #tpu.memory_space<vmem>>, vector<16xf32>,
    }
    %scan3A_92 = arith.constant 32 : i32
    "tpu.region"() ({
      %run_scoped3A = tpu.sem_alloc : memref<!tpu.dma_semaphore, #tpu.memory_space<semaphore_mem>>
      %dma_start3A_93 = tpu.memref_slice %arg5[%mul3A_2] : memref<16384xf32, #tpu.memory_space<hbm>> -> memref<512xf32, #tpu.memory_space<hbm>>
      %dma_start3A_94 = tpu.memref_slice %arg5[%mul3A_2] : memref<16384xf32, #tpu.memory_space<hbm>> -> memref<512xf32, #tpu.memory_space<hbm>>
      tpu.enqueue_dma source(%arg11 : memref<512xf32, #tpu.memory_space<vmem>>) target(%dma_start3A_94 : memref<512xf32, #tpu.memory_space<hbm>>) target_semaphore(%run_scoped3A : memref<!tpu.dma_semaphore, #tpu.memory_space<semaphore_mem>>)
      %dma_wait3A = tpu.memref_slice %arg5[%mul3A_2] : memref<16384xf32, #tpu.memory_space<hbm>> -> memref<512xf32, #tpu.memory_space<hbm>>
      %dma_wait3A_95 = tpu.memref_slice %arg5[%mul3A_2] : memref<16384xf32, #tpu.memory_space<hbm>> -> memref<512xf32, #tpu.memory_space<hbm>>
      tpu.wait_dma2 semaphore(%run_scoped3A : memref<!tpu.dma_semaphore, #tpu.memory_space<semaphore_mem>>) src(%arg11 : memref<512xf32, #tpu.memory_space<vmem>>) dst(%dma_wait3A_95 : memref<512xf32, #tpu.memory_space<hbm>>)
      tpu.yield
    }) : () -> ()
    return
  }
}

module attributes {stable_mosaic.version = 14 : i64} {
  func.func @_tc_body(%arg0: i32, %arg1: memref<64x8192xf32, #tpu.memory_space<vmem>>, %arg2: memref<1x64xf32, #tpu.memory_space<vmem>>, %arg3: memref<8x8192xf32, #tpu.memory_space<vmem>>) attributes {dimension_semantics = [#tpu.dimension_semantics<arbitrary>], iteration_bounds = array<i64: 123>, scalar_prefetch = 0 : i64, scratch_operands = 0 : i64, tpu.core_type = #tpu.core_type<tc>, window_params = [{transform_indices = @transform_0, window_bounds = array<i64: 64, 8192>}, {pipeline_mode = #tpu.pipeline_mode<synchronous>, transform_indices = @transform_1, window_bounds = array<i64: 1, 64>}, {transform_indices = @transform_2, window_bounds = array<i64: 8, 8192>}]} {
    %rem3A = arith.constant 8 : i32
    %rem3A_0 = arith.remsi %arg0, %rem3A : i32
    %get3A = arith.constant 0 : index
    %get3A_1 = arith.constant 0 : index
    %get3A_2 = vector.load %arg2[%get3A, %get3A_1] : memref<1x64xf32, #tpu.memory_space<vmem>>, vector<1x64xf32>
    %get3A_3 = arith.constant 0 : index
    %get3A_4 = arith.constant 0 : index
    %get3A_5 = vector.load %arg1[%get3A_3, %get3A_4] : memref<64x8192xf32, #tpu.memory_space<vmem>>, vector<64x8192xf32>
    %dot_general3A = arith.constant dense<0.000000e+00> : vector<1x8192xf32>
    %dot_general3A_6 = tpu.matmul %get3A_2, %get3A_5, %dot_general3A {dimension_numbers = #tpu.dot_dimension_numbers<[1], [0], [0], [1], [0, 0, 1, 1], [], []>, transpose_lhs_hint = false} : vector<1x64xf32>, vector<64x8192xf32>, vector<1x8192xf32> -> vector<1x8192xf32>
    %swap3A = arith.index_cast %rem3A_0 : i32 to index
    %swap3A_7 = arith.constant 0 : index
    %swap3A_8 = vector.load %arg3[%swap3A, %swap3A_7] : memref<8x8192xf32, #tpu.memory_space<vmem>>, vector<1x8192xf32>
    tpu.vector_store %arg3[%swap3A, %swap3A_7], %dot_general3A_6 {strides = array<i32>} : memref<8x8192xf32, #tpu.memory_space<vmem>>, vector<1x8192xf32>,
    return
  }
  func.func @transform_0(%arg0: i32) -> (i32, i32) {
    %c0_i32 = arith.constant 0 : i32
    %c0_i32_0 = arith.constant 0 : i32
    return %c0_i32, %arg0 : i32, i32
  }
  func.func @transform_1(%arg0: i32) -> (i32, i32) {
    %c0_i32 = arith.constant 0 : i32
    %c0_i32_0 = arith.constant 0 : i32
    %c0_i32_1 = arith.constant 0 : i32
    return %c0_i32, %c0_i32_0 : i32, i32
  }
  func.func @transform_2(%arg0: i32) -> (i32, i32) {
    %jit3A = arith.constant 8 : i32
    %div3A = arith.divsi %arg0, %jit3A : i32
    %sign3A = arith.constant 0 : i32
    %sign3A_0 = arith.cmpi sgt, %arg0, %sign3A : i32
    %sign3A_1 = arith.extui %sign3A_0 : i1 to i32
    %sign3A_2 = arith.constant 0 : i32
    %sign3A_3 = arith.cmpi slt, %arg0, %sign3A_2 : i32
    %sign3A_4 = arith.extui %sign3A_3 : i1 to i32
    %sign3A_5 = arith.subi %sign3A_1, %sign3A_4 : i32
    %sign3A_6 = arith.constant 0 : i32
    %sign3A_7 = arith.cmpi sgt, %jit3A, %sign3A_6 : i32
    %sign3A_8 = arith.extui %sign3A_7 : i1 to i32
    %sign3A_9 = arith.constant 0 : i32
    %sign3A_10 = arith.cmpi slt, %jit3A, %sign3A_9 : i32
    %sign3A_11 = arith.extui %sign3A_10 : i1 to i32
    %sign3A_12 = arith.subi %sign3A_8, %sign3A_11 : i32
    %ne3A = arith.cmpi ne, %sign3A_5, %sign3A_12 : i32
    %rem3A = arith.remsi %arg0, %jit3A : i32
    %ne3A_13 = arith.constant 0 : i32
    %ne3A_14 = arith.cmpi ne, %rem3A, %ne3A_13 : i32
    %and3A = arith.andi %ne3A, %ne3A_14 : i1
    %sub3A = arith.constant 1 : i32
    %sub3A_15 = arith.subi %div3A, %sub3A : i32
    %select_n3A = arith.select %and3A, %sub3A_15, %div3A : i32
    %c0_i32 = arith.constant 0 : i32
    %c0_i32_16 = arith.constant 0 : i32
    return %select_n3A, %c0_i32 : i32, i32
  }
}

</mosaic_0001>

<sc_bundles>
// kernel: kernel.4.cloned.1.call-start
scs
__scs_entry_jumppad:
0x0: {  	(pc) =	sbr.rel $0x88, $3  }
0x1: {  	(tag) =	ssettag $0x0;
	lr =	simm.s32 $0x1  }
0x2: {  	[smem:$0x3F9B] =	sst lr;
	_ =	strace $0xD0000000  }
0x3: {  	_ = 	snop  }
0x4: {  	_ = 	snop  }
0x5: {  	_ = 	snop  }
0x6: {  	_ = 	snop  }
0x7: {  	_ = 	snop  }
__scs_overlays_trampoline_lowered:
0x8: {  	[smem:$0x3FAA] =	sst s0  }
0x9: {  	[smem:$0x3FAB] =	sst s1  }
0xa: {  	[smem:$0x3FAC] =	sst s2  }
0xb: {  	[smem:$0x3FAD] =	sst s3  }
0xc: {  	[smem:$0x3FAE] =	sst s4  }
0xd: {  	[smem:$0x3FAF] =	sst s5  }
0xe: {  	[smem:$0x3FB0] =	sst s6  }
0xf: {  	[smem:$0x3FB1] =	sst s7  }
0x10: {  	[smem:$0x3FB2] =	sst s8  }
0x11: {  	[smem:$0x3FB3] =	sst s9;
	s0 =	simm.s32 @!p0 $0x0  }
0x12: {  	s1 =	sld [smem:$0x3F99];
	s0 =	simm.s32 @p0 $0x1  }
0x13: {  	[smem:$0x3FB4] =	sst s0;
	s0 =	simm.s32 @!p1 $0x0  }
0x14: {  	s2 =	sld [smem:$0x3F98];
	s0 =	simm.s32 @p1 $0x1  }
0x15: {  	[smem:$0x3FB5] =	sst s0;
	s0 =	simm.s32 @!p2 $0x0  }
0x16: {  	s3 =	sld [smem:$0x3FDB];
	s0 =	simm.s32 @p2 $0x1  }
0x17: {  	s4 =	simm.s32 $0x1BF5;
	[smem:$0x3FB7] =	sst s0  }
0x18: {  	s0 =	sld [smem:$0x3F9A];
	_ =	swait.ge [sflag:s4], $0x0  }
0x19: {  	s7 =	sld [smem:$0x3F9B]  }
0x1a: {  	s8 =	sadd.s32 $0xFFFFE003, lr  }
0x1b: {  	s9 =	sadd.s32 $0xFFFFFEF7, lr;
	s5 =	simm.s32 $0xFFFFFFFF;
	p2 =	slt.u32 s8, $0xFFFFF086  }
0x1c: {  	p1 =	slt.u32 s9, $0xF7A;
	s5 =	simm.s32 @!p2 $0x0  }
0x1d: {  	s5 =	simm.s32 @p1 $0x1;
	p0 =	seq.s32 s7, s2  }
0x1e: {  	s7 =	smul.u32 @!p0 $0xF7A, s2;
	p2 =	seq.s32 @!p0 s5, $0x0  }
0x1f: {  	s9 =	smul.u32 $0xF7A, s1;
	s8 =	simm.s32 @!p0 $0x1BF5;
	p2 =	por !p2, p0  }
0x20: {  	[sflag:s8] =	ssyncset.s32 @!p0 $0xFFFFF086;
	s6 =	sadd.s32 @!p0 s3, s7;
	s7 =	simm.s32 @!p0 $0x108  }
0x21: {  	s3 =	sadd.s32 s3, s9;
	s6 =	sadd.s32 @!p0 $0x88, s6;
	s7 =	simm.s32 @p2 $0x1082  }
0x22: {  	[simem:s7], [sflag:s8] =	dma.local @!p0 [hbm:s6], $0xF7A  }
0x23: {  	s9 =	sor.u32 $0xD0000000, s2;
	s6 =	simm.s32 $0x108;
	_ =	swait.ge @!p0 [sflag:s8], $0x0  }
0x24: {  	s3 =	sadd.s32 $0x88, s3;
	s6 =	simm.s32 @!p1 $0x1082;
	[sflag:s4] =	ssyncset.s32 $0xFFFFF086  }
0x25: {  	[simem:s6], [sflag:s4] =	dma.local [hbm:s3], $0xF7A  }
0x26: {  	[smem:$0x3F9B] =	sst s1;
	(tag) =	ssettag s2;
	_ =	strace s9  }
0x27: {  	s1 =	sld [smem:$0x3FAB]  }
0x28: {  	s2 =	sld [smem:$0x3FAC]  }
0x29: {  	s4 =	sld [smem:$0x3FAE]  }
0x2a: {  	p0 =	seq.s32 s5, $0x0;
	s5 =	sld [smem:$0x3FAF]  }
0x2b: {  	s6 =	sld [smem:$0x3FB0]  }
0x2c: {  	s7 =	sld [smem:$0x3FB1]  }
0x2d: {  	s3 =	simm.s32 $0x108;
	s8 =	sld [smem:$0x3FB2]  }
0x2e: {  	s3 =	simm.s32 @!p0 $0x1082;
	s9 =	sld [smem:$0x3FB3]  }
0x2f: {  	lr =	sadd.s32 s0, s3;
	s0 =	sld [smem:$0x3FAA]  }
0x30: {  	s3 =	sld [smem:$0x3FAD]  }
0x31: {  	[smem:$0x3FB6] =	sst s10  }
0x32: {  	s10 =	sld [smem:$0x3FB4];
	_ =	sdelay $0x3  }
0x33: {  	p0 =	seq.s32 s10, $0x1;
	s10 =	sld [smem:$0x3FB6];
	_ =	sdelay $0x3  }
0x34: {  	[smem:$0x3FB6] =	sst s10  }
0x35: {  	s10 =	sld [smem:$0x3FB5];
	_ =	sdelay $0x3  }
0x36: {  	p1 =	seq.s32 s10, $0x1;
	s10 =	sld [smem:$0x3FB6];
	_ =	sdelay $0x3  }
0x37: {  	[smem:$0x3FB6] =	sst s10  }
0x38: {  	s10 =	sld [smem:$0x3FB7]  }
0x39: {  	_ = 	snop;
	(pc) =	sbr.ind lr, $3  }
0x3a: {  	_ = 	snop  }
0x3b: {  	_ = 	snop  }
0x3c: {  	p2 =	seq.s32 s10, $0x1;
	s10 =	sld [smem:$0x3FB6]  }
0x3d: {  	_ =	shalt  }
0x3e: {  	_ =	shalt  }
0x3f: {  	_ =	shalt  }
0x40: {  	_ =	shalt  }
0x41: {  	_ =	shalt  }
0x42: {  	_ =	shalt  }
0x43: {  	_ =	shalt  }
0x44: {  	_ =	shalt  }
0x45: {  	_ =	shalt  }
0x46: {  	_ =	shalt  }
0x47: {  	_ =	shalt  }
0x48: {  	_ =	shalt  }
0x49: {  	_ =	shalt  }
0x4a: {  	_ =	shalt  }
0x4b: {  	_ =	shalt  }
0x4c: {  	_ =	shalt  }
0x4d: {  	_ =	shalt  }
0x4e: {  	_ =	shalt  }
0x4f: {  	_ =	shalt  }
0x50: {  	_ =	shalt  }
0x51: {  	_ =	shalt  }
0x52: {  	_ =	shalt  }
0x53: {  	_ =	shalt  }
0x54: {  	_ =	shalt  }
0x55: {  	_ =	shalt  }
0x56: {  	_ =	shalt  }
0x57: {  	_ =	shalt  }
0x58: {  	_ =	shalt  }
0x59: {  	_ =	shalt  }
0x5a: {  	_ =	shalt  }
0x5b: {  	_ =	shalt  }
0x5c: {  	_ =	shalt  }
0x5d: {  	_ =	shalt  }
0x5e: {  	_ =	shalt  }
0x5f: {  	_ =	shalt  }
0x60: {  	_ =	shalt  }
0x61: {  	_ =	shalt  }
0x62: {  	_ =	shalt  }
0x63: {  	_ =	shalt  }
0x64: {  	_ =	shalt  }
0x65: {  	_ =	shalt  }
0x66: {  	_ =	shalt  }
0x67: {  	_ =	shalt  }
0x68: {  	_ =	shalt  }
0x69: {  	_ =	shalt  }
0x6a: {  	_ =	shalt  }
0x6b: {  	_ =	shalt  }
0x6c: {  	_ =	shalt  }
0x6d: {  	_ =	shalt  }
0x6e: {  	_ =	shalt  }
0x6f: {  	_ =	shalt  }
0x70: {  	_ =	shalt  }
0x71: {  	_ =	shalt  }
0x72: {  	_ =	shalt  }
0x73: {  	_ =	shalt  }
0x74: {  	_ =	shalt  }
0x75: {  	_ =	shalt  }
0x76: {  	_ =	shalt  }
0x77: {  	_ =	shalt  }
0x78: {  	_ =	shalt  }
0x79: {  	_ =	shalt  }
0x7a: {  	_ =	shalt  }
0x7b: {  	_ =	shalt  }
0x7c: {  	_ =	shalt  }
0x7d: {  	_ =	shalt  }
0x7e: {  	_ =	shalt  }
0x7f: {  	_ =	shalt  }
0x80: {  	_ =	shalt  }
0x81: {  	_ =	shalt  }
0x82: {  	_ =	shalt  }
0x83: {  	_ =	shalt  }
0x84: {  	_ =	shalt  }
0x85: {  	_ =	shalt  }
0x86: {  	_ =	shalt  }
0x87: {  	_ =	shalt  }
.Lfunc_end0:
.L_simem_size_0:
called_computation_lowered:
.L_overlay_start_0:
0x88: {  	s2 =	sld [smem:$0x3FD9]  }
0x89: {  	s3 =	sld [smem:$0x3FFE];
	_ =	sdelay $0x1  }
0x8a: {  	s1 =	srdreg.scid  }
0x8b: {  	s0 =	sand.u32 $0x1, s1  }
0x8c: {  	s17 =	sshll.u32 s0, $0xA;
	s2 =	sadd.s32 s3, s2  }
0x8d: {  	s2 =	sadd.s32 s2, s17  }
0x8e: {  	[smem:$0x3FC2] =	sst s2  }
0x8f: {  	_ = 	snop  }
0x90: {  	s2 =	sld [smem:$0x3FD0];
	(tm) =	ssettm $0x1  }
0x91: {  	s18 =	sld [smem:$0x3FFB];
	_ =	sdelay $0x3  }
0x92: {  	_ =	strace s18  }
0x93: {  	s3 =	sld [smem:$0x3FFC];
	_ =	sdelay $0x3  }
0x94: {  	_ =	strace s3  }
0x95: {  	s3 =	sld [smem:$0x3FFD];
	_ =	sdelay $0x3  }
0x96: {  	_ =	strace s3  }
0x97: {  	_ =	strace $0x8FFFFFFF  }
0x98: {  	s19 =	sld [smem:$0x3FDB];
	_ =	sdelay $0x1  }
0x99: {  	s4 =	simm.s32 $_scs_section_size  }
0x9a: {  	s5 =	simm.s32 $_size__tile_overlayer_lowered;
	s6 =	simm.s32 $_tile_overlayer_lowered  }
0x9b: {  	s22 =	simm.s32 $0x1BFF;
	s21 =	sshll.u32 s6, $0x1;
	s3 =	sadd.s32 s4, s19  }
0x9c: {  	s7 =	simm.s32 $0x0;
	s20 =	sshll.u32 s5, $0x1;
	s5 =	sadd.s32 s21, s3  }
0x9d: {  	[timem:s7], [sflag:s22] =	dma.local [hbm:s5], s20  }
0x9e: {  	_ =	swait.ge [sflag:s22], s20  }
0x9f: {  	s4 =	ssub.s32 $0x0, s20;
	[sflag:s22] =	ssyncset.done $0x0  }
0xa0: {  	[sflag:s22] =	ssyncadd.s32 s4;
	_ =	sdelay $0x1  }
0xa1: {  	s23 =	simm.s32 $0x1B8B  }
0xa2: {  	_ =	swait.ge [sflag:s23], $0x1  }
0xa3: {  	[sflag:s23] =	ssyncset.done $0x0  }
0xa4: {  	s25 =	simm.s32 $0x1B8E;
	s24 =	sld [smem:$0x3FFE];
	[sflag:s23] =	ssyncadd.s32 $0xFFFFFFFF  }
0xa5: {  	s26 =	simm.s32 $execute0_lowered;
	[smem:$0x3FD2] =	sst s25  }
0xa6: {  	s5 =	sshll.u32 s26, $0x1;
	_ =	strace $0x80000046;
	[dreg:$0x1] =	wrdreg $0xFFFFFFFF  }
0xa7: {  	s28 =	simm.s32 $_size_execute0_lowered;
	s3 =	sadd.s32 s3, s5;
	[dreg:$0x0] =	wrdreg $0x0  }
0xa8: {  	s5 =	sshll.u32 s28, $0x1;
	[dreg:$0x2] =	wrdreg s3  }
0xa9: {  	[dreg:$0x3] =	wrdreg s5  }
0xaa: {  	[dreg:$0x4] =	wrdreg $0xC0  }
0xab: {  	_ =	task [dreg:s7], $0x5FFFF  }
0xac: {  	[dreg:$0x1] =	wrdreg $0xFFFFFFFF  }
0xad: {  	[dreg:$0x0] =	wrdreg $0x60  }
0xae: {  	[dreg:$0x2] =	wrdreg s24  }
0xaf: {  	[dreg:$0x3] =	wrdreg s2  }
0xb0: {  	[dreg:$0x4] =	wrdreg $0x9  }
0xb1: {  	_ =	task.clear_ibuf [dreg:s7], $0x5FFFF;
	_ =	strace $0x90000046  }
0xb2: {  	s29 =	simm.s32 $0x9;
	_ =	strace $0x80000048  }
0xb3: {  	_ =	swait.ge [sflag:s29], $0x1  }
0xb4: {  	[sflag:s29] =	ssyncadd.s32 $0xFFFFFFFF  }
0xb5: {  	_ =	strace $0x90000048  }
0xb6: {  	_ =	sfence  }
0xb7: {  	s30 =	sld [smem:$0x0];
	_ =	sdelay $0x2  }
0xb8: {  	s31 =	sshll.u32 s1, $0xD;
	s1 =	sshrl.u32 s1, $0x2  }
0xb9: {  	s3 =	sand.u32 $0x4000, s31;
	s1 =	sadd.s32 s1, s30  }
0xba: {  	s0 =	sor.u32 s3, s0;
	s1 =	sshll.u32 s1, $0x11  }
0xbb: {  	s0 =	sor.u32 s1, s0  }
0xbc: {  	s0 =	sadd.s32 $0x8F2B, s0  }
0xbd: {  	[sflag:s0] =	ssyncadd.remote.s32 $0x1  }
0xbe: {  	_ =	sfence.sel $0xFFFF  }
0xbf: {  	[dreg:$0x0] =	wrdreg $0xFFFFFFFF;
	(pc) =	sbr.abs _section_cstart, $3  }
0xc0: {  	[dreg:$0x1] =	wrdreg $0xFFFFFFFF  }
0xc1: {  	_ =	task.clear_ibuf [dreg:s7], $0x2FFFF;
	_ =	strace $0x9FFFFFFF  }
0xc2: {  	(tm) =	ssettm $0x7FFFFFFF  }
0xc3: {  	_ =	shalt  }
tec
execute0_lowered:
.L_overlay_start_1:
0x0: {  	(tag) =	ssettag $0x1  }
0x1: {  	s0 =	rddreg [dreg:$0x0]  }
0x2: {  	s1 =	srdreg.scid;
	s2 =	stileid.u32  }
0x3: {  	s6 =	rddreg [dreg:$0x1];
	s10 =	simm.s32 $0x80;
	s12 =	simm.s32 $0x7800  }
0x4: {  	s19 =	simm.s32 $0x5200;
	s20 =	simm.s32 $0x9800;
	s21 =	simm.s32 $0x5280  }
0x5: {  	s22 =	simm.s32 $0xA000;
	s23 =	simm.s32 $0x5300;
	s24 =	simm.s32 $0xA800  }
0x6: {  	s25 =	simm.s32 $0x5380;
	s28 =	simm.s32 $0x1;
	s29 =	simm.s32 $0x2  }
0x7: {  	s30 =	simm.s32 $0xB800;
	s31 =	simm.s32 $0x0;
	s1 =	sand.u32 $0x1, s1  }
0x8: {  	s3 =	sshll.u32 s2, $0x1;
	s2 =	simm.s32 $0x0;
	s4 =	sadd.s32 $0x2A600, s0  }
0x9: {  	s5 =	sor.u32 s1, s3;
	[smem:$0x7FF] =	sst s2;
	s1 =	ssub.s32 $0x2, s1  }
0xa: {  	s3 =	smul.u32 $0x500, s5;
	_ =	strace $0x80000047;
	s8 =	sshll.u32 s5, $0x6  }
0xb: {  	s26 =	sshrl.u32 s1, $0x1;
	s6 =	sadd.s32 s6, s8;
	s8 =	simm.s32 $0x3  }
0xc: {  	v2 =	vlaneseq.u32;
	s7 =	sadd.s32 s3, s0;
	s3 =	sadd.s32 $0xA600, s0;
	s0 =	ssub.s32 s1, s26  }
0xd: {  	v1 =	vimm.f32 $0.0e+00;
	v0 =	vmul.u32 $0x14, v2;
	v2 =	vmul.u32 $0x10, v2;
	s26 =	simm.s32 $0xB000;
	s5 =	sadd.s32 $0x600, s7;
	s7 =	smax.u32 s0, $0x1  }
.LBB2_1:
0xe: {  	[tilespmem:s2], [sflag:$0x3] =	stream.linear.gather [hbm4b:s5+s2], $0x2800, $0x38;
	[tilespmem:$0xBA30] =	vst v63  }
0xf: {  	_ =	swait.ge [sflag:s8], $0x2800  }
0x10: {  	[sflag:s8] =	ssyncset.done $0x0  }
0x11: {  	s0 =	simm.s32 $0xBA00;
	[sflag:s8] =	ssyncadd.s32 $0xFFFFD800  }
0x12: {  	[tilespmem:s0], [sflag:$0x3] =	stream.linear.gather [hbm4b:s4+s2], $0x30, $0x38;
	[tilespmem:$0xBA30] =	vst v63  }
0x13: {  	_ =	swait.ge [sflag:s8], $0x30  }
0x14: {  	s1 =	simm.s32 $0x5000;
	[sflag:s8] =	ssyncset.done $0x0  }
0x15: {  	s9 =	simm.s32 $0x0;
	s0 =	simm.s32 $0x2800;
	[sflag:s8] =	ssyncadd.s32 $0xFFFFFFD0  }
.LBB2_2:
0x16: {  	s11 =	simm.s32 $0x0  }
0x17: {  	v3 =	vmov s11  }
0x18: {  	v4 =	vmul.u32 $0x14, v3  }
0x19: {  	v3 =	vmov s9  }
0x1a: {  	v4 =	vadd.s32 v3, v4  }
0x1b: {  	v4 =	vbroadcast v4, $0x0;
	_ =	sdelay $0x1  }
0x1c: {  	s16 =	simm.s32 $0x10;
	v4 =	vadd.s32 v0, v4  }
0x1d: {  	v5 =	vmov s16  }
0x1e: {  	v5 =	vmul.u32 $0x14, v5;
	_ =	sdelay $0x1  }
0x1f: {  	v5 =	vadd.s32 v3, v5  }
0x20: {  	v5 =	vbroadcast v5, $0x0;
	v4 =	vld.idx.msk [tilespmem:v4+s2+$0x0], $0xffff;
	_ =	sdelay $0x1  }
0x21: {  	s17 =	simm.s32 $0x20;
	v5 =	vadd.s32 v0, v5  }
0x22: {  	v6 =	vmov s17  }
0x23: {  	v6 =	vmul.u32 $0x14, v6  }
0x24: {  	[tilespmem:s0+$0x0] =	vst v4;
	v4 =	vshrl.u32 v4, $0x4  }
0x25: {  	v6 =	vadd.s32 v3, v6;
	[tilespmem:s1+$0x0] =	vst v4  }
0x26: {  	v6 =	vbroadcast v6, $0x0;
	v5 =	vld.idx.msk [tilespmem:v5+s2+$0x0], $0xffff;
	_ =	sdelay $0x1  }
0x27: {  	v4 =	vadd.s32 v0, v6  }
0x28: {  	s18 =	simm.s32 $0x30  }
0x29: {  	s14 =	simm.s32 $0x40;
	s13 =	smov.u32 s1;
	s11 =	sadd.s32 $0x10, s0;
	v6 =	vmov s18  }
.LBB2_3:
0x2a: {  	p0 =	sne.s32 s14, $0x1F0;
	v6 =	vmul.u32 $0x14, v6;
	[tilespmem:s11+$0x0] =	vst v5;
	v5 =	vshrl.u32 v5, $0x4;
	s13 =	sadd.s32 $0x10, s13  }
0x2b: {  	[tilespmem:s13+$0x0] =	vst v5  }
0x2c: {  	v6 =	vadd.s32 v3, v6;
	v5 =	vld.idx.msk [tilespmem:v4+s2+$0x0], $0xffff  }
.Ltmp0:
0x2d: {  	v4 =	vbroadcast v6, $0x0;
	(pc) =	sbr.rel @p0 .LBB2_3-.Ltmp0, $3  }
0x2e: {  	_ = 	snop  }
0x2f: {  	v4 =	vadd.s32 v0, v4;
	_ =	sdelay $0x1  }
0x30: {  	s11 =	sadd.s32 $0x10, s11;
	v6 =	vmov s14;
	s14 =	sadd.s32 $0x10, s14  }
0x31: {  	_ = 	snop  }
0x32: {  	v6 =	vmul.u32 $0x14, v6  }
0x33: {  	[tilespmem:s11+$0x0] =	vst v5;
	v63 =	vshrl.u32 v5, $0x4;
	s13 =	sadd.s32 $0x10, s13  }
0x34: {  	[tilespmem:s13+$0x0] =	vst v63;
	v3 =	vadd.s32 v3, v6  }
0x35: {  	v4 =	vld.idx.msk [tilespmem:v4+s2+$0x0], $0xffff;
	v3 =	vbroadcast v3, $0x0;
	_ =	sdelay $0x1  }
0x36: {  	v3 =	vadd.s32 v0, v3;
	_ =	sdelay $0x1  }
0x37: {  	s17 =	sadd.s32 $0x10, s11  }
0x38: {  	s13 =	sadd.s32 $0x10, s13;
	[tilespmem:s17+$0x0] =	vst v4;
	v4 =	vshrl.u32 v4, $0x4  }
0x39: {  	[tilespmem:s13+$0x0] =	vst v4  }
0x3a: {  	s9 =	sadd.s32 $0x1, s9;
	v3 =	vld.idx.msk [tilespmem:v3+s2+$0x0], $0xffff  }
0x3b: {  	p0 =	sne.s32 s9, $0x14  }
.Ltmp1:
0x3c: {  	_ = 	snop;
	(pc) =	sbr.rel @p0 .LBB2_2-.Ltmp1, $4  }
0x3d: {  	_ = 	snop  }
0x3e: {  	s11 =	sadd.s32 $0x10, s17  }
0x3f: {  	s18 =	sadd.s32 $0x10, s13;
	[tilespmem:s11+$0x0] =	vst v3;
	v3 =	vshrl.u32 v3, $0x4  }
0x40: {  	s0 =	sadd.s32 $0x200, s0;
	s1 =	sadd.s32 $0x200, s1;
	[tilespmem:s18+$0x0] =	vst v3  }
0x41: {  	[tilespmem:$0xB800] =	vst v1  }
0x42: {  	[tilespmem:$0xB810] =	vst v1  }
0x43: {  	[tilespmem:$0xB820] =	vst v1  }
0x44: {  	[tilespmem:$0xB830] =	vst v1  }
0x45: {  	[tilespmem:$0xB840] =	vst v1  }
0x46: {  	[tilespmem:$0xB850] =	vst v1  }
0x47: {  	[tilespmem:$0xB860] =	vst v1  }
0x48: {  	[tilespmem:$0xB870] =	vst v1  }
0x49: {  	[tilespmem:$0xB880] =	vst v1  }
0x4a: {  	[tilespmem:$0xB890] =	vst v1  }
0x4b: {  	[tilespmem:$0xB8A0] =	vst v1  }
0x4c: {  	[tilespmem:$0xB8B0] =	vst v1  }
0x4d: {  	[tilespmem:$0xB8C0] =	vst v1  }
0x4e: {  	[tilespmem:$0xB8D0] =	vst v1  }
0x4f: {  	[tilespmem:$0xB8E0] =	vst v1  }
0x50: {  	[tilespmem:$0xB8F0] =	vst v1  }
0x51: {  	[tilespmem:$0xB900] =	vst v1  }
0x52: {  	[tilespmem:$0xB910] =	vst v1  }
0x53: {  	[tilespmem:$0xB920] =	vst v1  }
0x54: {  	[tilespmem:$0xB930] =	vst v1  }
0x55: {  	[tilespmem:$0xB940] =	vst v1  }
0x56: {  	[tilespmem:$0xB950] =	vst v1  }
0x57: {  	[tilespmem:$0xB960] =	vst v1  }
0x58: {  	[tilespmem:$0xB970] =	vst v1  }
0x59: {  	[tilespmem:$0xB980] =	vst v1  }
0x5a: {  	[tilespmem:$0xB990] =	vst v1  }
0x5b: {  	[tilespmem:$0xB9A0] =	vst v1  }
0x5c: {  	[tilespmem:$0xB9B0] =	vst v1  }
0x5d: {  	[tilespmem:$0xB9C0] =	vst v1  }
0x5e: {  	[tilespmem:$0xB9D0] =	vst v1  }
0x5f: {  	[tilespmem:$0xB9E0] =	vst v1  }
0x60: {  	[tilespmem:$0xB9F0] =	vst v1;
	s0 =	simm.s32 $0x5000  }
0x61: {  	[tilespmem:s12], [sflag:$0x1] =	stream.indirect.gather [hbm4b:s3+s10], $0x10, s0, s10, $0xb8;
	[tilespmem:$0xBA30] =	vst v63  }
0x62: {  	s14 =	simm.s32 $0x5080;
	s1 =	simm.s32 $0x8000  }
0x63: {  	[tilespmem:s1], [sflag:$0x1] =	stream.indirect.gather [hbm4b:s3+s10], $0x10, s14, s10, $0xb8;
	[tilespmem:$0xBA30] =	vst v63  }
0x64: {  	s15 =	simm.s32 $0x5100;
	s16 =	simm.s32 $0x8800  }
0x65: {  	[tilespmem:s16], [sflag:$0x1] =	stream.indirect.gather [hbm4b:s3+s10], $0x10, s15, s10, $0xb8;
	[tilespmem:$0xBA30] =	vst v63  }
0x66: {  	s17 =	simm.s32 $0x5180;
	s18 =	simm.s32 $0x9000  }
0x67: {  	[tilespmem:s18], [sflag:$0x1] =	stream.indirect.gather [hbm4b:s3+s10], $0x10, s17, s10, $0xb8;
	[tilespmem:$0xBA30] =	vst v63  }
0x68: {  	_ = 	snop  }
0x69: {  	[tilespmem:s20], [sflag:$0x2] =	stream.indirect.gather [hbm4b:s3+s10], $0x10, s19, s10, $0xb8;
	[tilespmem:$0xBA30] =	vst v63  }
0x6a: {  	_ = 	snop  }
0x6b: {  	[tilespmem:s22], [sflag:$0x2] =	stream.indirect.gather [hbm4b:s3+s10], $0x10, s21, s10, $0xb8;
	[tilespmem:$0xBA30] =	vst v63  }
0x6c: {  	s9 =	simm.s32 $0x2A00  }
0x6d: {  	[tilespmem:s24], [sflag:$0x2] =	stream.indirect.gather [hbm4b:s3+s10], $0x10, s23, s10, $0xb8;
	[tilespmem:$0xBA30] =	vst v63  }
0x6e: {  	s11 =	simm.s32 $0x0;
	s0 =	simm.s32 $0x2800;
	s1 =	simm.s32 $0x0  }
0x6f: {  	[tilespmem:s26], [sflag:$0x2] =	stream.indirect.gather [hbm4b:s3+s10], $0x10, s25, s10, $0xb8;
	[tilespmem:$0xBA30] =	vst v63  }
.LBB2_6:
0x70: {  	_ =	swait.ge [sflag:s28], $0x2000  }
0x71: {  	[sflag:s28] =	ssyncset.done $0x0  }
0x72: {  	[sflag:s28] =	ssyncadd.s32 $0xFFFFE000  }
0x73: {  	v4 =	vld [tilespmem:s0+$0x0];
	_ =	sdelay $0x2  }
0x74: {  	v3 =	vmov s1  }
0x75: {  	v3 =	vshll.u32 v3, $0x4  }
0x76: {  	v3 =	vor.u32 v2, v3;
	v5 =	vand.u32 $0xF, v4  }
0x77: {  	v3 =	vor.u32 v3, v5;
	_ =	sdelay $0x3  }
0x78: {  	s13 =	sshll.u32 s11, $0x1  }
0x79: {  	s14 =	sand.u32 $0x3FFFFFFE, s13;
	v5 =	vld.idx.msk [tilespmem:v3+s12+$0x0], $0xffff  }
0x7a: {  	v3 =	vld.msk [tilespmem:s14+$0xBA00 ss:$0x0], $0xffff  }
0x7b: {  	s15 =	simm.s32 $0xB800  }
0x7c: {  	v6 =	vld [tilespmem:s15+$0x0]  }
0x7d: {  	vm0 =	veq.s32 v4, $0x0  }
0x7e: {  	v4 =	vsel vm0, $0x0, v5  }
0x7f: {  	v4 =	vmul.f32 v4, v3;
	_ =	sdelay $0x1  }
0x80: {  	v4 =	vadd.f32 v4, v6;
	_ =	sdelay $0x1  }
0x81: {  	s16 =	sadd.s32 $0x10, s0;
	[tilespmem:s15+$0x0] =	vst v4  }
0x82: {  	s17 =	simm.s32 $0x10;
	s18 =	simm.s32 $0x20;
	s13 =	sshll.u32 s11, $0xC;
	v4 =	vld [tilespmem:s16+$0x0]  }
.LBB2_7:
0x83: {  	p0 =	sne.s32 s18, $0x1F0;
	_ =	sdelay $0x1  }
0x84: {  	v5 =	vmov s17;
	s17 =	smov.u32 s18  }
0x85: {  	v5 =	vshll.u32 v5, $0x4  }
0x86: {  	v5 =	vor.u32 v2, v5;
	v6 =	vand.u32 $0xF, v4  }
0x87: {  	v5 =	vor.u32 v5, v6;
	_ =	sdelay $0x4  }
0x88: {  	v5 =	vld.idx.msk [tilespmem:v5+s12+$0x0], $0xffff;
	_ =	sdelay $0x2  }
0x89: {  	s15 =	sadd.s32 $0x10, s15  }
0x8a: {  	v6 =	vld [tilespmem:s15+$0x0]  }
0x8b: {  	vm0 =	veq.s32 v4, $0x0  }
0x8c: {  	v4 =	vsel vm0, $0x0, v5  }
0x8d: {  	v4 =	vmul.f32 v4, v3  }
.Ltmp2:
0x8e: {  	(pc) =	sbr.rel @p0 .LBB2_7-.Ltmp2, $3  }
0x8f: {  	v4 =	vadd.f32 v4, v6;
	_ =	sdelay $0x1  }
0x90: {  	s16 =	sadd.s32 $0x10, s16;
	[tilespmem:s15+$0x0] =	vst v4  }
0x91: {  	s18 =	sadd.s32 $0x10, s18;
	v4 =	vld [tilespmem:s16+$0x0]  }
0x92: {  	_ =	sdelay $0x1  }
0x93: {  	v5 =	vmov s17  }
0x94: {  	v5 =	vshll.u32 v5, $0x4  }
0x95: {  	v5 =	vor.u32 v2, v5;
	v6 =	vand.u32 $0xF, v4  }
0x96: {  	v5 =	vor.u32 v5, v6;
	_ =	sdelay $0x4  }
0x97: {  	v5 =	vld.idx.msk [tilespmem:v5+s12+$0x0], $0xffff;
	_ =	sdelay $0x1  }
0x98: {  	s15 =	sadd.s32 $0x10, s15  }
0x99: {  	v6 =	vld [tilespmem:s15+$0x0]  }
0x9a: {  	vm0 =	veq.s32 v4, $0x0  }
0x9b: {  	v4 =	vsel vm0, $0x0, v5  }
0x9c: {  	v3 =	vmul.f32 v4, v3;
	_ =	sdelay $0x1  }
0x9d: {  	p0 =	seq.s32 s11, $0x9;
	v3 =	vadd.f32 v3, v6  }
0x9e: {  	s16 =	sshrl.u32 @!p0 s13, $0x2  }
0x9f: {  	s17 =	simm.s32 @!p0 $0x80;
	s18 =	simm.s32 @!p0 $0x7800;
	[tilespmem:s15+$0x0] =	vst v3;
	s15 =	sadd.s32 @!p0 $0x5400, s16  }
0xa0: {  	[tilespmem:s18], [sflag:$0x1] =	stream.indirect.gather @!p0 [hbm4b:s3+s17], $0x10, s15, s17, $0xb8;
	[tilespmem:$0xBA30] =	vst v63  }
0xa1: {  	s15 =	sadd.s32 @!p0 $0x5480, s16;
	s18 =	simm.s32 @!p0 $0x8000  }
0xa2: {  	[tilespmem:s18], [sflag:$0x1] =	stream.indirect.gather @!p0 [hbm4b:s3+s17], $0x10, s15, s17, $0xb8;
	[tilespmem:$0xBA30] =	vst v63  }
0xa3: {  	s15 =	sadd.s32 @!p0 $0x5500, s16;
	s18 =	simm.s32 @!p0 $0x8800  }
0xa4: {  	[tilespmem:s18], [sflag:$0x1] =	stream.indirect.gather @!p0 [hbm4b:s3+s17], $0x10, s15, s17, $0xb8;
	[tilespmem:$0xBA30] =	vst v63  }
0xa5: {  	s15 =	sadd.s32 @!p0 $0x5580, s16;
	s16 =	simm.s32 @!p0 $0x9000  }
0xa6: {  	[tilespmem:s16], [sflag:$0x1] =	stream.indirect.gather @!p0 [hbm4b:s3+s17], $0x10, s15, s17, $0xb8;
	[tilespmem:$0xBA30] =	vst v63  }
0xa7: {  	_ =	swait.ge [sflag:s29], $0x2000  }
0xa8: {  	[sflag:s29] =	ssyncset.done $0x0  }
0xa9: {  	[sflag:s29] =	ssyncadd.s32 $0xFFFFE000  }
0xaa: {  	v4 =	vld [tilespmem:s9+$0x0];
	_ =	sdelay $0x1  }
0xab: {  	s18 =	simm.s32 $0x0  }
0xac: {  	v3 =	vmov s18  }
0xad: {  	v3 =	vshll.u32 v3, $0x4  }
0xae: {  	v3 =	vor.u32 v2, v3;
	v5 =	vand.u32 $0xF, v4  }
0xaf: {  	v3 =	vor.u32 v3, v5;
	_ =	sdelay $0x4  }
0xb0: {  	v5 =	vld.idx.msk [tilespmem:v3+s20+$0x0], $0xffff  }
0xb1: {  	v3 =	vld.msk [tilespmem:s14+$0xBA01 ss:$0x0], $0xffff  }
0xb2: {  	s14 =	simm.s32 $0xB800  }
0xb3: {  	v6 =	vld [tilespmem:s14+$0x0]  }
0xb4: {  	vm15 =	veq.s32 v4, $0x0  }
0xb5: {  	v4 =	vsel vm15, $0x0, v5  }
0xb6: {  	v4 =	vmul.f32 v4, v3;
	_ =	sdelay $0x1  }
0xb7: {  	v4 =	vadd.f32 v4, v6;
	_ =	sdelay $0x1  }
0xb8: {  	s15 =	sadd.s32 $0x10, s9;
	[tilespmem:s14+$0x0] =	vst v4  }
0xb9: {  	s16 =	simm.s32 $0x10;
	s17 =	simm.s32 $0x20;
	v4 =	vld [tilespmem:s15+$0x0]  }
.LBB2_9:
0xba: {  	p1 =	sne.s32 s17, $0x1F0;
	_ =	sdelay $0x1  }
0xbb: {  	v5 =	vmov s16;
	s16 =	smov.u32 s17  }
0xbc: {  	v5 =	vshll.u32 v5, $0x4  }
0xbd: {  	v5 =	vor.u32 v2, v5;
	v6 =	vand.u32 $0xF, v4  }
0xbe: {  	v5 =	vor.u32 v5, v6;
	_ =	sdelay $0x4  }
0xbf: {  	v5 =	vld.idx.msk [tilespmem:v5+s20+$0x0], $0xffff;
	_ =	sdelay $0x2  }
0xc0: {  	s14 =	sadd.s32 $0x10, s14  }
0xc1: {  	v6 =	vld [tilespmem:s14+$0x0]  }
0xc2: {  	vm0 =	veq.s32 v4, $0x0  }
0xc3: {  	v4 =	vsel vm0, $0x0, v5  }
0xc4: {  	v4 =	vmul.f32 v4, v3  }
.Ltmp3:
0xc5: {  	(pc) =	sbr.rel @p1 .LBB2_9-.Ltmp3, $3  }
0xc6: {  	v4 =	vadd.f32 v4, v6;
	_ =	sdelay $0x1  }
0xc7: {  	s15 =	sadd.s32 $0x10, s15;
	[tilespmem:s14+$0x0] =	vst v4  }
0xc8: {  	s17 =	sadd.s32 $0x10, s17;
	v4 =	vld [tilespmem:s15+$0x0]  }
0xc9: {  	_ =	sdelay $0x1  }
0xca: {  	v5 =	vmov s16  }
0xcb: {  	v5 =	vshll.u32 v5, $0x4  }
0xcc: {  	v5 =	vor.u32 v2, v5;
	v6 =	vand.u32 $0xF, v4  }
0xcd: {  	v5 =	vor.u32 v5, v6;
	_ =	sdelay $0x4  }
0xce: {  	v5 =	vld.idx.msk [tilespmem:v5+s20+$0x0], $0xffff;
	_ =	sdelay $0x1  }
0xcf: {  	s14 =	sadd.s32 $0x10, s14  }
0xd0: {  	v63 =	vld [tilespmem:s14+$0x0]  }
0xd1: {  	vm0 =	veq.s32 v4, $0x0  }
0xd2: {  	v4 =	vsel vm0, $0x0, v5  }
.Ltmp4:
0xd3: {  	v3 =	vmul.f32 v4, v3;
	(pc) =	sbr.rel @p0 .LBB2_12-.Ltmp4, $3  }
0xd4: {  	_ = 	snop  }
0xd5: {  	v3 =	vadd.f32 v3, v63;
	_ =	sdelay $0x1  }
0xd6: {  	[tilespmem:s14+$0x0] =	vst v3  }
0xd7: {  	s13 =	sshrl.u32 s13, $0x2  }
0xd8: {  	s14 =	sadd.s32 $0x5600, s13  }
0xd9: {  	[tilespmem:s20], [sflag:$0x2] =	stream.indirect.gather [hbm4b:s3+s10], $0x10, s14, s10, $0xb8;
	[tilespmem:$0xBA30] =	vst v63  }
0xda: {  	s17 =	sadd.s32 $0x5680, s13  }
0xdb: {  	[tilespmem:s22], [sflag:$0x2] =	stream.indirect.gather [hbm4b:s3+s10], $0x10, s17, s10, $0xb8;
	[tilespmem:$0xBA30] =	vst v63  }
.Ltmp5:
0xdc: {  	_ = 	snop;
	(pc) =	sbr.rel .LBB2_6-.Ltmp5, $4  }
0xdd: {  	s11 =	sadd.s32 $0x1, s11;
	s18 =	sadd.s32 $0x5700, s13  }
0xde: {  	[tilespmem:s24], [sflag:$0x2] =	stream.indirect.gather [hbm4b:s3+s10], $0x10, s18, s10, $0xb8;
	[tilespmem:$0xBA30] =	vst v63  }
0xdf: {  	s0 =	sadd.s32 $0x400, s0;
	s9 =	sadd.s32 $0x400, s9;
	s13 =	sadd.s32 $0x5780, s13  }
0xe0: {  	[tilespmem:s26], [sflag:$0x2] =	stream.indirect.gather [hbm4b:s3+s10], $0x10, s13, s10, $0xb8;
	[tilespmem:$0xBA30] =	vst v63  }
.LBB2_12:
0xe1: {  	v3 =	vld.msk [tilespmem:$0xBA14 ss:$0x0], $0xffff;
	s0 =	simm.s32 $0x0;
	s1 =	simm.s32 $0x40  }
.LBB2_13:
0xe2: {  	p0 =	sne.s32 s1, $0x7C0;
	v4 =	vld [tilespmem:s0+$0xB800];
	_ =	sdelay $0x4  }
0xe3: {  	v4 =	vadd.f32 v4, v3;
	_ =	sdelay $0x1  }
0xe4: {  	v4 =	vsub.f32 $0.0e+00, v4;
	_ =	sdelay $0x1  }
0xe5: {  	v4 =	vmul.f32 $1.442695020e+00, v4;
	_ =	sdelay $0x1  }
0xe6: {  	(erf) = vpow2.f32 v4;
	_ =	sdelay $0x8  }
0xe7: {  	v4 =	vpop (erf)  }
0xe8: {  	v4 =	vadd.f32 $1.000000000e+00, v4;
	_ =	sdelay $0x1  }
0xe9: {  	(erf) = vrcp.f32 v4;
	_ =	sdelay $0x5  }
.Ltmp6:
0xea: {  	(pc) =	sbr.rel @p0 .LBB2_13-.Ltmp6, $3  }
0xeb: {  	_ =	sdelay $0x1  }
0xec: {  	v4 =	vpop (erf)  }
0xed: {  	[tilespmem:s0+$0xB800] =	vst v4;
	s0 =	sshra.s32 s1, $0x2;
	s1 =	sadd.s32 $0x40, s1  }
0xee: {  	v4 =	vld [tilespmem:s0+$0xB800];
	_ =	sdelay $0x4  }
0xef: {  	v3 =	vadd.f32 v4, v3;
	_ =	sdelay $0x1  }
0xf0: {  	v3 =	vsub.f32 $0.0e+00, v3;
	_ =	sdelay $0x1  }
0xf1: {  	v3 =	vmul.f32 $1.442695020e+00, v3;
	_ =	sdelay $0x1  }
0xf2: {  	(erf) = vpow2.f32 v3;
	_ =	sdelay $0x8  }
0xf3: {  	v3 =	vpop (erf)  }
0xf4: {  	v3 =	vadd.f32 $1.000000000e+00, v3;
	_ =	sdelay $0x1  }
0xf5: {  	(erf) = vrcp.f32 v3;
	_ =	sdelay $0x7  }
0xf6: {  	s31 =	sadd.s32 $0x1, s31  }
0xf7: {  	p0 =	sne.s32 s31, s7;
	v3 =	vpop (erf)  }
.Ltmp7:
0xf8: {  	[tilespmem:s0+$0xB800] =	vst v3;
	(pc) =	sbr.rel @p0 .LBB2_1-.Ltmp7, $4  }
0xf9: {  	[hbm4b:s6+s2] =	stream.linear.scatter [tilespmem:s30], [sflag:$0x3], $0x200, $0x38;
	[tilespmem:$0xBA30] =	vst v63  }
0xfa: {  	_ =	swait.ge [sflag:s8], $0x200  }
0xfb: {  	[sflag:s8] =	ssyncset.done $0x0  }
0xfc: {  	[sflag:s8] =	ssyncadd.s32 $0xFFFFFE00  }
0xfd: {  	_ =	sfence.sel $0x180000  }
0xfe: {  	[bflag:$0x0] =	sbarrier.arrive $0xFFFF  }
0xff: {  	_ =	strace $0x90000047  }
0x100: {  	s0 =	stileid.u32;
	[bflag:$0x2] =	sbarrier.arrive $0xFFFF  }
0x101: {  	p0 =	sne.s32 s0, $0x0;
	s0 =	rddreg [dreg:$0x2]  }
0x102: {  	s0 =	sadd.s32 @!p0 $0x100000, s0  }
0x103: {  	[sflag:s0] =	ssyncadd.tile.s32 @!p0 $0x1;
	_ =	shalt  }
.Lfunc_end2:
_tile_overlayer_lowered:
.L_overlay_start_2:
0x104: {  	(tag) =	ssettag $0x2  }
0x105: {  	s0 =	rddreg [dreg:$0x0];
	s2 =	stileid.u32  }
0x106: {  	s1 =	rddreg [dreg:$0x1];
	p0 =	sne.s32 s2, $0x0  }
0x107: {  	s3 =	rddreg [dreg:$0x2];
	[bflag:$0x3] =	sbarrier.arrive $0xFFFF;
	s2 =	simm.s32 @!p0 $0x1C03  }
0x108: {  	[timem:s3], [sflag:s2] =	dma.local @!p0 [hbm:s0], s1  }
0x109: {  	s0 =	simm.s32 @!p0 $0x3  }
0x10a: {  	_ =	swait.ge @!p0 [sflag:s0], s1  }
0x10b: {  	s1 =	ssub.s32 @!p0 $0x0, s1;
	[sflag:s0] =	ssyncset.done @!p0 $0x0  }
0x10c: {  	[sflag:s0] =	ssyncadd.s32 @!p0 s1  }
0x10d: {  	[bflag:$0x3] =	sbarrier.arrive $0xFFFF  }
0x10e: {  	_ =	shalt  }

</sc_bundles>
